<compile_context>
chip_gen: v7x
topology: tpu7x:2x2x1
jax: 0.10.2.dev20260603
libtpu: 0.0.44.dev20260713+nightly
codegen_flags: <defaults>
</compile_context>

<pallas_src>
import functools

import jax
import jax.numpy as jnp
from jax import lax
from jax.experimental import pallas as pl
from jax.experimental.pallas import tpu as pltpu
from jax.experimental.pallas import tpu_sc as plsc

B = 4096
L = 50
DIM = 128
NC = 2
NS = 16
NW = NC * NS
SENT_W = B // NW
HALF = SENT_W // 2
NBUF = 10
NGRP = 2 * L // NBUF


def _emb_body(ids_hbm, table_hbm, out_hbm, idx_v, rows_v, *sems):
    gsems = sems[:NBUF]
    ssems = sems[NBUF:]
    wid = lax.axis_index("s") * NC + lax.axis_index("c")
    base = wid * SENT_W
    pltpu.sync_copy(ids_hbm.at[wid], idx_v)

    def gstart(l, h, b):
        pltpu.make_async_copy(
            table_hbm.at[idx_v.at[l, pl.ds(h * HALF, HALF)]], rows_v.at[b],
            gsems[b]).start()

    def gwait(b):
        pltpu.make_async_copy(
            table_hbm.at[idx_v.at[0, pl.ds(0, HALF)]], rows_v.at[b],
            gsems[b]).wait()

    def sstart(l, h, b):
        pltpu.make_async_copy(
            rows_v.at[b], out_hbm.at[l, pl.ds(base + h * HALF, HALF)],
            ssems[b]).start()

    def swait(b):
        pltpu.make_async_copy(
            rows_v.at[b], out_hbm.at[0, pl.ds(base, HALF)],
            ssems[b]).wait()

    LG = NBUF // 2
    for b in range(NBUF):
        gstart(b // 2, b % 2, b)

    def body(g, carry):
        l0 = g * LG
        for b in range(NBUF):
            gwait(b)
            sstart(l0 + b // 2, b % 2, b)
        for b in range(NBUF):
            swait(b)
            gstart(l0 + LG + b // 2, b % 2, b)
        return carry

    lax.fori_loop(0, NGRP - 1, body, 0)

    l0 = (NGRP - 1) * LG
    for b in range(NBUF):
        gwait(b)
        sstart(l0 + b // 2, b % 2, b)
    for b in range(NBUF):
        swait(b)


def kernel(word_ids, table):
    ids_r = word_ids.reshape(NW, SENT_W, L).transpose(0, 2, 1)
    mesh = plsc.VectorSubcoreMesh(core_axis_name="c", subcore_axis_name="s")
    emb = functools.partial(
        pl.kernel,
        mesh=mesh,
        out_type=jax.ShapeDtypeStruct((L, B, DIM), jnp.float32),
        scratch_types=[
            pltpu.VMEM((L, SENT_W), jnp.int32),
            pltpu.VMEM((NBUF, HALF, DIM), jnp.float32),
        ] + [pltpu.SemaphoreType.DMA] * (2 * NBUF),
    )(_emb_body)
    out_t = emb(ids_r, table)
    return out_t.transpose(1, 0, 2)

# --- scband reference (transcript-rebuilt; emitter-appended) ---
"""Pipeline reference for scband-word-embedding-7232724926672 (READ-ONLY COPY).

The authoritative reference and input builder live on the scoring server;
editing this copy changes nothing except your own understanding.
"""

import jax, jax.numpy as jnp
import numpy as np

VOCAB = 100000
DIM = 128
B = 4096
L = 50


def setup_inputs(seed: int = 0) -> dict:
    key = jax.random.key(seed)
    k_ids, k_tab = jax.random.split(key)
    word_ids = jax.random.randint(k_ids, (B, L), 0, VOCAB, dtype=jnp.int32)
    # Frozen GloVe-style embedding table, materialized as a random matrix
    table = jax.random.normal(k_tab, (VOCAB, DIM), dtype=jnp.float32)
    return {"word_ids": word_ids, "table": table}


def reference(word_ids, table):
    # WordEmbedding.forward: nn.Embedding lookup -> (B, L, dim)
    return jnp.take(table, word_ids, axis=0)

if __name__ == "__main__":
    import jax
    _d = setup_inputs()
    print(jax.jit(kernel)(*tuple(_d.values())))

</pallas_src>

<mosaic_0001>
#map = affine_map<(d0, d1) -> (0, 0, 0)>
#map1 = affine_map<(d0, d1) -> (0, 0)>
module attributes {stable_mosaic.version = 14 : i64} {
  func.func @_emb_body(%arg0: i32, %arg1: i32, %arg2: memref<32x50x128xi32, #tpu.memory_space<hbm>>, %arg3: memref<100000x128xf32, #tpu.memory_space<hbm>>, %arg4: memref<50x4096x128xf32, #tpu.memory_space<hbm>>, %arg5: memref<50x128xi32, #tpu.memory_space<vmem>>, %arg6: memref<10x64x128xf32, #tpu.memory_space<vmem>>, %arg7: memref<!tpu.dma_semaphore, #tpu.memory_space<semaphore_mem>>, %arg8: memref<!tpu.dma_semaphore, #tpu.memory_space<semaphore_mem>>, %arg9: memref<!tpu.dma_semaphore, #tpu.memory_space<semaphore_mem>>, %arg10: memref<!tpu.dma_semaphore, #tpu.memory_space<semaphore_mem>>, %arg11: memref<!tpu.dma_semaphore, #tpu.memory_space<semaphore_mem>>, %arg12: memref<!tpu.dma_semaphore, #tpu.memory_space<semaphore_mem>>, %arg13: memref<!tpu.dma_semaphore, #tpu.memory_space<semaphore_mem>>, %arg14: memref<!tpu.dma_semaphore, #tpu.memory_space<semaphore_mem>>, %arg15: memref<!tpu.dma_semaphore, #tpu.memory_space<semaphore_mem>>, %arg16: memref<!tpu.dma_semaphore, #tpu.memory_space<semaphore_mem>>, %arg17: memref<!tpu.dma_semaphore, #tpu.memory_space<semaphore_mem>>, %arg18: memref<!tpu.dma_semaphore, #tpu.memory_space<semaphore_mem>>, %arg19: memref<!tpu.dma_semaphore, #tpu.memory_space<semaphore_mem>>, %arg20: memref<!tpu.dma_semaphore, #tpu.memory_space<semaphore_mem>>, %arg21: memref<!tpu.dma_semaphore, #tpu.memory_space<semaphore_mem>>, %arg22: memref<!tpu.dma_semaphore, #tpu.memory_space<semaphore_mem>>, %arg23: memref<!tpu.dma_semaphore, #tpu.memory_space<semaphore_mem>>, %arg24: memref<!tpu.dma_semaphore, #tpu.memory_space<semaphore_mem>>, %arg25: memref<!tpu.dma_semaphore, #tpu.memory_space<semaphore_mem>>, %arg26: memref<!tpu.dma_semaphore, #tpu.memory_space<semaphore_mem>>) attributes {dimension_semantics = [#tpu.dimension_semantics<core_parallel>, #tpu.dimension_semantics<subcore_parallel>], iteration_bounds = array<i64: 2, 16>, scalar_prefetch = 0 : i64, scratch_operands = 22 : i64, tpu.core_type = #tpu.core_type<sc_vector_subcore>, window_params = [{transform_indices = #map}, {transform_indices = #map1}, {transform_indices = #map}]} {
    %mul3A = arith.constant 2 : i32
    %mul3A_0 = arith.muli %arg1, %mul3A : i32
    %add3A = arith.addi %mul3A_0, %arg0 : i32
    %mul3A_1 = arith.constant 128 : i32
    %mul3A_2 = arith.muli %add3A, %mul3A_1 : i32
    "tpu.region"() ({
      %run_scoped3A = tpu.sem_alloc : memref<!tpu.dma_semaphore, #tpu.memory_space<semaphore_mem>>
      %dma_start3A_586 = arith.constant 0 : i32
      %dma_start3A_587 = arith.constant 0 : i32
      %dma_start3A_588 = tpu.memref_slice %arg2[%add3A, %dma_start3A_586, %dma_start3A_587] : memref<32x50x128xi32, #tpu.memory_space<hbm>> -> memref<1x50x128xi32, #tpu.memory_space<hbm>>
      %dma_start3A_589 = tpu.memref_squeeze %dma_start3A_588 : memref<1x50x128xi32, #tpu.memory_space<hbm>> -> memref<50x128xi32, #tpu.memory_space<hbm>>
      %dma_start3A_590 = arith.constant 0 : i32
      %dma_start3A_591 = arith.constant 0 : i32
      %dma_start3A_592 = tpu.memref_slice %arg2[%add3A, %dma_start3A_590, %dma_start3A_591] : memref<32x50x128xi32, #tpu.memory_space<hbm>> -> memref<1x50x128xi32, #tpu.memory_space<hbm>>
      %dma_start3A_593 = tpu.memref_squeeze %dma_start3A_592 : memref<1x50x128xi32, #tpu.memory_space<hbm>> -> memref<50x128xi32, #tpu.memory_space<hbm>>
      tpu.enqueue_dma source(%dma_start3A_593 : memref<50x128xi32, #tpu.memory_space<hbm>>) target(%arg5 : memref<50x128xi32, #tpu.memory_space<vmem>>) target_semaphore(%run_scoped3A : memref<!tpu.dma_semaphore, #tpu.memory_space<semaphore_mem>>)
      %dma_wait3A_594 = arith.constant 0 : i32
      %dma_wait3A_595 = arith.constant 0 : i32
      %dma_wait3A_596 = tpu.memref_slice %arg2[%add3A, %dma_wait3A_594, %dma_wait3A_595] : memref<32x50x128xi32, #tpu.memory_space<hbm>> -> memref<1x50x128xi32, #tpu.memory_space<hbm>>
      %dma_wait3A_597 = tpu.memref_squeeze %dma_wait3A_596 : memref<1x50x128xi32, #tpu.memory_space<hbm>> -> memref<50x128xi32, #tpu.memory_space<hbm>>
      %dma_wait3A_598 = arith.constant 0 : i32
      %dma_wait3A_599 = arith.constant 0 : i32
      %dma_wait3A_600 = tpu.memref_slice %arg2[%add3A, %dma_wait3A_598, %dma_wait3A_599] : memref<32x50x128xi32, #tpu.memory_space<hbm>> -> memref<1x50x128xi32, #tpu.memory_space<hbm>>
      %dma_wait3A_601 = tpu.memref_squeeze %dma_wait3A_600 : memref<1x50x128xi32, #tpu.memory_space<hbm>> -> memref<50x128xi32, #tpu.memory_space<hbm>>
      tpu.wait_dma2 semaphore(%run_scoped3A : memref<!tpu.dma_semaphore, #tpu.memory_space<semaphore_mem>>) src(%dma_wait3A_601 : memref<50x128xi32, #tpu.memory_space<hbm>>) dst(%arg5 : memref<50x128xi32, #tpu.memory_space<vmem>>)
      tpu.yield
    }) : () -> ()
    %dma_start3A = arith.constant 0 : i32
    %dma_start3A_3 = arith.constant 0 : i32
    %dma_start3A_4 = arith.constant 0 : i32
    %dma_start3A_5 = arith.constant 0 : i32
    %dma_start3A_6 = tpu.memref_slice %arg6[%dma_start3A_3, %dma_start3A_4, %dma_start3A_5] : memref<10x64x128xf32, #tpu.memory_space<vmem>> -> memref<1x64x128xf32, #tpu.memory_space<vmem>>
    %dma_start3A_7 = tpu.memref_squeeze %dma_start3A_6 : memref<1x64x128xf32, #tpu.memory_space<vmem>> -> memref<64x128xf32, #tpu.memory_space<vmem>>
    %dma_start3A_8 = arith.constant 0 : i32
    %dma_start3A_9 = tpu.memref_slice %arg5[%dma_start3A, %dma_start3A_8] : memref<50x128xi32, #tpu.memory_space<vmem>> -> memref<1x64xi32, #tpu.memory_space<vmem>>
    %dma_start3A_10 = tpu.memref_squeeze %dma_start3A_9 : memref<1x64xi32, #tpu.memory_space<vmem>> -> memref<64xi32, #tpu.memory_space<vmem>>
    %dma_start3A_11 = arith.constant 0 : i32
    %dma_start3A_12 = arith.constant 0 : i32
    %dma_start3A_13 = tpu.memref_slice %arg3[%dma_start3A_11, %dma_start3A_12] : memref<100000x128xf32, #tpu.memory_space<hbm>> -> memref<100000x128xf32, #tpu.memory_space<hbm>>
    tpu.enqueue_indirect_dma source(%dma_start3A_13 : memref<100000x128xf32, #tpu.memory_space<hbm>>) target(%dma_start3A_7 : memref<64x128xf32, #tpu.memory_space<vmem>>) offsets(%dma_start3A_10 : memref<64xi32, #tpu.memory_space<vmem>>) semaphore(%arg7 : memref<!tpu.dma_semaphore, #tpu.memory_space<semaphore_mem>>)
    %dma_start3A_14 = arith.constant 0 : i32
    %dma_start3A_15 = arith.constant 1 : i32
    %dma_start3A_16 = arith.constant 0 : i32
    %dma_start3A_17 = arith.constant 0 : i32
    %dma_start3A_18 = tpu.memref_slice %arg6[%dma_start3A_15, %dma_start3A_16, %dma_start3A_17] : memref<10x64x128xf32, #tpu.memory_space<vmem>> -> memref<1x64x128xf32, #tpu.memory_space<vmem>>
    %dma_start3A_19 = tpu.memref_squeeze %dma_start3A_18 : memref<1x64x128xf32, #tpu.memory_space<vmem>> -> memref<64x128xf32, #tpu.memory_space<vmem>>
    %dma_start3A_20 = arith.constant 64 : i32
    %dma_start3A_21 = tpu.memref_slice %arg5[%dma_start3A_14, %dma_start3A_20] : memref<50x128xi32, #tpu.memory_space<vmem>> -> memref<1x64xi32, #tpu.memory_space<vmem>>
    %dma_start3A_22 = tpu.memref_squeeze %dma_start3A_21 : memref<1x64xi32, #tpu.memory_space<vmem>> -> memref<64xi32, #tpu.memory_space<vmem>>
    %dma_start3A_23 = arith.constant 0 : i32
    %dma_start3A_24 = arith.constant 0 : i32
    %dma_start3A_25 = tpu.memref_slice %arg3[%dma_start3A_23, %dma_start3A_24] : memref<100000x128xf32, #tpu.memory_space<hbm>> -> memref<100000x128xf32, #tpu.memory_space<hbm>>
    tpu.enqueue_indirect_dma source(%dma_start3A_25 : memref<100000x128xf32, #tpu.memory_space<hbm>>) target(%dma_start3A_19 : memref<64x128xf32, #tpu.memory_space<vmem>>) offsets(%dma_start3A_22 : memref<64xi32, #tpu.memory_space<vmem>>) semaphore(%arg8 : memref<!tpu.dma_semaphore, #tpu.memory_space<semaphore_mem>>)
    %dma_start3A_26 = arith.constant 1 : i32
    %dma_start3A_27 = arith.constant 2 : i32
    %dma_start3A_28 = arith.constant 0 : i32
    %dma_start3A_29 = arith.constant 0 : i32
    %dma_start3A_30 = tpu.memref_slice %arg6[%dma_start3A_27, %dma_start3A_28, %dma_start3A_29] : memref<10x64x128xf32, #tpu.memory_space<vmem>> -> memref<1x64x128xf32, #tpu.memory_space<vmem>>
    %dma_start3A_31 = tpu.memref_squeeze %dma_start3A_30 : memref<1x64x128xf32, #tpu.memory_space<vmem>> -> memref<64x128xf32, #tpu.memory_space<vmem>>
    %dma_start3A_32 = arith.constant 0 : i32
    %dma_start3A_33 = tpu.memref_slice %arg5[%dma_start3A_26, %dma_start3A_32] : memref<50x128xi32, #tpu.memory_space<vmem>> -> memref<1x64xi32, #tpu.memory_space<vmem>>
    %dma_start3A_34 = tpu.memref_squeeze %dma_start3A_33 : memref<1x64xi32, #tpu.memory_space<vmem>> -> memref<64xi32, #tpu.memory_space<vmem>>
    %dma_start3A_35 = arith.constant 0 : i32
    %dma_start3A_36 = arith.constant 0 : i32
    %dma_start3A_37 = tpu.memref_slice %arg3[%dma_start3A_35, %dma_start3A_36] : memref<100000x128xf32, #tpu.memory_space<hbm>> -> memref<100000x128xf32, #tpu.memory_space<hbm>>
    tpu.enqueue_indirect_dma source(%dma_start3A_37 : memref<100000x128xf32, #tpu.memory_space<hbm>>) target(%dma_start3A_31 : memref<64x128xf32, #tpu.memory_space<vmem>>) offsets(%dma_start3A_34 : memref<64xi32, #tpu.memory_space<vmem>>) semaphore(%arg9 : memref<!tpu.dma_semaphore, #tpu.memory_space<semaphore_mem>>)
    %dma_start3A_38 = arith.constant 1 : i32
    %dma_start3A_39 = arith.constant 3 : i32
    %dma_start3A_40 = arith.constant 0 : i32
    %dma_start3A_41 = arith.constant 0 : i32
    %dma_start3A_42 = tpu.memref_slice %arg6[%dma_start3A_39, %dma_start3A_40, %dma_start3A_41] : memref<10x64x128xf32, #tpu.memory_space<vmem>> -> memref<1x64x128xf32, #tpu.memory_space<vmem>>
    %dma_start3A_43 = tpu.memref_squeeze %dma_start3A_42 : memref<1x64x128xf32, #tpu.memory_space<vmem>> -> memref<64x128xf32, #tpu.memory_space<vmem>>
    %dma_start3A_44 = arith.constant 64 : i32
    %dma_start3A_45 = tpu.memref_slice %arg5[%dma_start3A_38, %dma_start3A_44] : memref<50x128xi32, #tpu.memory_space<vmem>> -> memref<1x64xi32, #tpu.memory_space<vmem>>
    %dma_start3A_46 = tpu.memref_squeeze %dma_start3A_45 : memref<1x64xi32, #tpu.memory_space<vmem>> -> memref<64xi32, #tpu.memory_space<vmem>>
    %dma_start3A_47 = arith.constant 0 : i32
    %dma_start3A_48 = arith.constant 0 : i32
    %dma_start3A_49 = tpu.memref_slice %arg3[%dma_start3A_47, %dma_start3A_48] : memref<100000x128xf32, #tpu.memory_space<hbm>> -> memref<100000x128xf32, #tpu.memory_space<hbm>>
    tpu.enqueue_indirect_dma source(%dma_start3A_49 : memref<100000x128xf32, #tpu.memory_space<hbm>>) target(%dma_start3A_43 : memref<64x128xf32, #tpu.memory_space<vmem>>) offsets(%dma_start3A_46 : memref<64xi32, #tpu.memory_space<vmem>>) semaphore(%arg10 : memref<!tpu.dma_semaphore, #tpu.memory_space<semaphore_mem>>)
    %dma_start3A_50 = arith.constant 2 : i32
    %dma_start3A_51 = arith.constant 4 : i32
    %dma_start3A_52 = arith.constant 0 : i32
    %dma_start3A_53 = arith.constant 0 : i32
    %dma_start3A_54 = tpu.memref_slice %arg6[%dma_start3A_51, %dma_start3A_52, %dma_start3A_53] : memref<10x64x128xf32, #tpu.memory_space<vmem>> -> memref<1x64x128xf32, #tpu.memory_space<vmem>>
    %dma_start3A_55 = tpu.memref_squeeze %dma_start3A_54 : memref<1x64x128xf32, #tpu.memory_space<vmem>> -> memref<64x128xf32, #tpu.memory_space<vmem>>
    %dma_start3A_56 = arith.constant 0 : i32
    %dma_start3A_57 = tpu.memref_slice %arg5[%dma_start3A_50, %dma_start3A_56] : memref<50x128xi32, #tpu.memory_space<vmem>> -> memref<1x64xi32, #tpu.memory_space<vmem>>
    %dma_start3A_58 = tpu.memref_squeeze %dma_start3A_57 : memref<1x64xi32, #tpu.memory_space<vmem>> -> memref<64xi32, #tpu.memory_space<vmem>>
    %dma_start3A_59 = arith.constant 0 : i32
    %dma_start3A_60 = arith.constant 0 : i32
    %dma_start3A_61 = tpu.memref_slice %arg3[%dma_start3A_59, %dma_start3A_60] : memref<100000x128xf32, #tpu.memory_space<hbm>> -> memref<100000x128xf32, #tpu.memory_space<hbm>>
    tpu.enqueue_indirect_dma source(%dma_start3A_61 : memref<100000x128xf32, #tpu.memory_space<hbm>>) target(%dma_start3A_55 : memref<64x128xf32, #tpu.memory_space<vmem>>) offsets(%dma_start3A_58 : memref<64xi32, #tpu.memory_space<vmem>>) semaphore(%arg11 : memref<!tpu.dma_semaphore, #tpu.memory_space<semaphore_mem>>)
    %dma_start3A_62 = arith.constant 2 : i32
    %dma_start3A_63 = arith.constant 5 : i32
    %dma_start3A_64 = arith.constant 0 : i32
    %dma_start3A_65 = arith.constant 0 : i32
    %dma_start3A_66 = tpu.memref_slice %arg6[%dma_start3A_63, %dma_start3A_64, %dma_start3A_65] : memref<10x64x128xf32, #tpu.memory_space<vmem>> -> memref<1x64x128xf32, #tpu.memory_space<vmem>>
    %dma_start3A_67 = tpu.memref_squeeze %dma_start3A_66 : memref<1x64x128xf32, #tpu.memory_space<vmem>> -> memref<64x128xf32, #tpu.memory_space<vmem>>
    %dma_start3A_68 = arith.constant 64 : i32
    %dma_start3A_69 = tpu.memref_slice %arg5[%dma_start3A_62, %dma_start3A_68] : memref<50x128xi32, #tpu.memory_space<vmem>> -> memref<1x64xi32, #tpu.memory_space<vmem>>
    %dma_start3A_70 = tpu.memref_squeeze %dma_start3A_69 : memref<1x64xi32, #tpu.memory_space<vmem>> -> memref<64xi32, #tpu.memory_space<vmem>>
    %dma_start3A_71 = arith.constant 0 : i32
    %dma_start3A_72 = arith.constant 0 : i32
    %dma_start3A_73 = tpu.memref_slice %arg3[%dma_start3A_71, %dma_start3A_72] : memref<100000x128xf32, #tpu.memory_space<hbm>> -> memref<100000x128xf32, #tpu.memory_space<hbm>>
    tpu.enqueue_indirect_dma source(%dma_start3A_73 : memref<100000x128xf32, #tpu.memory_space<hbm>>) target(%dma_start3A_67 : memref<64x128xf32, #tpu.memory_space<vmem>>) offsets(%dma_start3A_70 : memref<64xi32, #tpu.memory_space<vmem>>) semaphore(%arg12 : memref<!tpu.dma_semaphore, #tpu.memory_space<semaphore_mem>>)
    %dma_start3A_74 = arith.constant 3 : i32
    %dma_start3A_75 = arith.constant 6 : i32
    %dma_start3A_76 = arith.constant 0 : i32
    %dma_start3A_77 = arith.constant 0 : i32
    %dma_start3A_78 = tpu.memref_slice %arg6[%dma_start3A_75, %dma_start3A_76, %dma_start3A_77] : memref<10x64x128xf32, #tpu.memory_space<vmem>> -> memref<1x64x128xf32, #tpu.memory_space<vmem>>
    %dma_start3A_79 = tpu.memref_squeeze %dma_start3A_78 : memref<1x64x128xf32, #tpu.memory_space<vmem>> -> memref<64x128xf32, #tpu.memory_space<vmem>>
    %dma_start3A_80 = arith.constant 0 : i32
    %dma_start3A_81 = tpu.memref_slice %arg5[%dma_start3A_74, %dma_start3A_80] : memref<50x128xi32, #tpu.memory_space<vmem>> -> memref<1x64xi32, #tpu.memory_space<vmem>>
    %dma_start3A_82 = tpu.memref_squeeze %dma_start3A_81 : memref<1x64xi32, #tpu.memory_space<vmem>> -> memref<64xi32, #tpu.memory_space<vmem>>
    %dma_start3A_83 = arith.constant 0 : i32
    %dma_start3A_84 = arith.constant 0 : i32
    %dma_start3A_85 = tpu.memref_slice %arg3[%dma_start3A_83, %dma_start3A_84] : memref<100000x128xf32, #tpu.memory_space<hbm>> -> memref<100000x128xf32, #tpu.memory_space<hbm>>
    tpu.enqueue_indirect_dma source(%dma_start3A_85 : memref<100000x128xf32, #tpu.memory_space<hbm>>) target(%dma_start3A_79 : memref<64x128xf32, #tpu.memory_space<vmem>>) offsets(%dma_start3A_82 : memref<64xi32, #tpu.memory_space<vmem>>) semaphore(%arg13 : memref<!tpu.dma_semaphore, #tpu.memory_space<semaphore_mem>>)
    %dma_start3A_86 = arith.constant 3 : i32
    %dma_start3A_87 = arith.constant 7 : i32
    %dma_start3A_88 = arith.constant 0 : i32
    %dma_start3A_89 = arith.constant 0 : i32
    %dma_start3A_90 = tpu.memref_slice %arg6[%dma_start3A_87, %dma_start3A_88, %dma_start3A_89] : memref<10x64x128xf32, #tpu.memory_space<vmem>> -> memref<1x64x128xf32, #tpu.memory_space<vmem>>
    %dma_start3A_91 = tpu.memref_squeeze %dma_start3A_90 : memref<1x64x128xf32, #tpu.memory_space<vmem>> -> memref<64x128xf32, #tpu.memory_space<vmem>>
    %dma_start3A_92 = arith.constant 64 : i32
    %dma_start3A_93 = tpu.memref_slice %arg5[%dma_start3A_86, %dma_start3A_92] : memref<50x128xi32, #tpu.memory_space<vmem>> -> memref<1x64xi32, #tpu.memory_space<vmem>>
    %dma_start3A_94 = tpu.memref_squeeze %dma_start3A_93 : memref<1x64xi32, #tpu.memory_space<vmem>> -> memref<64xi32, #tpu.memory_space<vmem>>
    %dma_start3A_95 = arith.constant 0 : i32
    %dma_start3A_96 = arith.constant 0 : i32
    %dma_start3A_97 = tpu.memref_slice %arg3[%dma_start3A_95, %dma_start3A_96] : memref<100000x128xf32, #tpu.memory_space<hbm>> -> memref<100000x128xf32, #tpu.memory_space<hbm>>
    tpu.enqueue_indirect_dma source(%dma_start3A_97 : memref<100000x128xf32, #tpu.memory_space<hbm>>) target(%dma_start3A_91 : memref<64x128xf32, #tpu.memory_space<vmem>>) offsets(%dma_start3A_94 : memref<64xi32, #tpu.memory_space<vmem>>) semaphore(%arg14 : memref<!tpu.dma_semaphore, #tpu.memory_space<semaphore_mem>>)
    %dma_start3A_98 = arith.constant 4 : i32
    %dma_start3A_99 = arith.constant 8 : i32
    %dma_start3A_100 = arith.constant 0 : i32
    %dma_start3A_101 = arith.constant 0 : i32
    %dma_start3A_102 = tpu.memref_slice %arg6[%dma_start3A_99, %dma_start3A_100, %dma_start3A_101] : memref<10x64x128xf32, #tpu.memory_space<vmem>> -> memref<1x64x128xf32, #tpu.memory_space<vmem>>
    %dma_start3A_103 = tpu.memref_squeeze %dma_start3A_102 : memref<1x64x128xf32, #tpu.memory_space<vmem>> -> memref<64x128xf32, #tpu.memory_space<vmem>>
    %dma_start3A_104 = arith.constant 0 : i32
    %dma_start3A_105 = tpu.memref_slice %arg5[%dma_start3A_98, %dma_start3A_104] : memref<50x128xi32, #tpu.memory_space<vmem>> -> memref<1x64xi32, #tpu.memory_space<vmem>>
    %dma_start3A_106 = tpu.memref_squeeze %dma_start3A_105 : memref<1x64xi32, #tpu.memory_space<vmem>> -> memref<64xi32, #tpu.memory_space<vmem>>
    %dma_start3A_107 = arith.constant 0 : i32
    %dma_start3A_108 = arith.constant 0 : i32
    %dma_start3A_109 = tpu.memref_slice %arg3[%dma_start3A_107, %dma_start3A_108] : memref<100000x128xf32, #tpu.memory_space<hbm>> -> memref<100000x128xf32, #tpu.memory_space<hbm>>
    tpu.enqueue_indirect_dma source(%dma_start3A_109 : memref<100000x128xf32, #tpu.memory_space<hbm>>) target(%dma_start3A_103 : memref<64x128xf32, #tpu.memory_space<vmem>>) offsets(%dma_start3A_106 : memref<64xi32, #tpu.memory_space<vmem>>) semaphore(%arg15 : memref<!tpu.dma_semaphore, #tpu.memory_space<semaphore_mem>>)
    %dma_start3A_110 = arith.constant 4 : i32
    %dma_start3A_111 = arith.constant 9 : i32
    %dma_start3A_112 = arith.constant 0 : i32
    %dma_start3A_113 = arith.constant 0 : i32
    %dma_start3A_114 = tpu.memref_slice %arg6[%dma_start3A_111, %dma_start3A_112, %dma_start3A_113] : memref<10x64x128xf32, #tpu.memory_space<vmem>> -> memref<1x64x128xf32, #tpu.memory_space<vmem>>
    %dma_start3A_115 = tpu.memref_squeeze %dma_start3A_114 : memref<1x64x128xf32, #tpu.memory_space<vmem>> -> memref<64x128xf32, #tpu.memory_space<vmem>>
    %dma_start3A_116 = arith.constant 64 : i32
    %dma_start3A_117 = tpu.memref_slice %arg5[%dma_start3A_110, %dma_start3A_116] : memref<50x128xi32, #tpu.memory_space<vmem>> -> memref<1x64xi32, #tpu.memory_space<vmem>>
    %dma_start3A_118 = tpu.memref_squeeze %dma_start3A_117 : memref<1x64xi32, #tpu.memory_space<vmem>> -> memref<64xi32, #tpu.memory_space<vmem>>
    %dma_start3A_119 = arith.constant 0 : i32
    %dma_start3A_120 = arith.constant 0 : i32
    %dma_start3A_121 = tpu.memref_slice %arg3[%dma_start3A_119, %dma_start3A_120] : memref<100000x128xf32, #tpu.memory_space<hbm>> -> memref<100000x128xf32, #tpu.memory_space<hbm>>
    tpu.enqueue_indirect_dma source(%dma_start3A_121 : memref<100000x128xf32, #tpu.memory_space<hbm>>) target(%dma_start3A_115 : memref<64x128xf32, #tpu.memory_space<vmem>>) offsets(%dma_start3A_118 : memref<64xi32, #tpu.memory_space<vmem>>) semaphore(%arg16 : memref<!tpu.dma_semaphore, #tpu.memory_space<semaphore_mem>>)
    %scan3A = arith.constant 0 : i32
    %scan3A_122 = arith.constant 0 : i32
    %scan3A_123 = arith.constant 9 : i32
    %scan3A_124 = arith.addi %scan3A_122, %scan3A_123 : i32
    %scan3A_125 = arith.constant 1 : i32
    scf.for %scan3A_586 = %scan3A_122 to %scan3A_124 step %scan3A_125  : i32 {
      %mul3A_587 = arith.constant 5 : i32
      %mul3A_588 = arith.muli %scan3A_586, %mul3A_587 : i32
      %dma_wait3A_589 = arith.constant 0 : i32
      %dma_wait3A_590 = arith.constant 0 : i32
      %dma_wait3A_591 = arith.constant 0 : i32
      %dma_wait3A_592 = arith.constant 0 : i32
      %dma_wait3A_593 = tpu.memref_slice %arg6[%dma_wait3A_590, %dma_wait3A_591, %dma_wait3A_592] : memref<10x64x128xf32, #tpu.memory_space<vmem>> -> memref<1x64x128xf32, #tpu.memory_space<vmem>>
      %dma_wait3A_594 = tpu.memref_squeeze %dma_wait3A_593 : memref<1x64x128xf32, #tpu.memory_space<vmem>> -> memref<64x128xf32, #tpu.memory_space<vmem>>
      %dma_wait3A_595 = arith.constant 0 : i32
      %dma_wait3A_596 = tpu.memref_slice %arg5[%dma_wait3A_589, %dma_wait3A_595] : memref<50x128xi32, #tpu.memory_space<vmem>> -> memref<1x64xi32, #tpu.memory_space<vmem>>
      %dma_wait3A_597 = tpu.memref_squeeze %dma_wait3A_596 : memref<1x64xi32, #tpu.memory_space<vmem>> -> memref<64xi32, #tpu.memory_space<vmem>>
      %dma_wait3A_598 = arith.constant 0 : i32
      %dma_wait3A_599 = arith.constant 0 : i32
      %dma_wait3A_600 = tpu.memref_slice %arg3[%dma_wait3A_598, %dma_wait3A_599] : memref<100000x128xf32, #tpu.memory_space<hbm>> -> memref<100000x128xf32, #tpu.memory_space<hbm>>
      tpu.wait_indirect_dma semaphore(%arg7 : memref<!tpu.dma_semaphore, #tpu.memory_space<semaphore_mem>>) src(%dma_wait3A_600 : memref<100000x128xf32, #tpu.memory_space<hbm>>) dst(%dma_wait3A_594 : memref<64x128xf32, #tpu.memory_space<vmem>>)
      %add3A_601 = arith.constant 0 : i32
      %add3A_602 = arith.addi %mul3A_588, %add3A_601 : i32
      %add3A_603 = arith.constant 0 : i32
      %add3A_604 = arith.addi %mul3A_2, %add3A_603 : i32
      %dma_start3A_605 = arith.constant 0 : i32
      %dma_start3A_606 = arith.constant 0 : i32
      %dma_start3A_607 = arith.constant 0 : i32
      %dma_start3A_608 = tpu.memref_slice %arg6[%dma_start3A_605, %dma_start3A_606, %dma_start3A_607] : memref<10x64x128xf32, #tpu.memory_space<vmem>> -> memref<1x64x128xf32, #tpu.memory_space<vmem>>
      %dma_start3A_609 = tpu.memref_squeeze %dma_start3A_608 : memref<1x64x128xf32, #tpu.memory_space<vmem>> -> memref<64x128xf32, #tpu.memory_space<vmem>>
      %dma_start3A_610 = arith.constant 0 : i32
      %dma_start3A_611 = tpu.memref_slice %arg4[%add3A_602, %add3A_604, %dma_start3A_610] : memref<50x4096x128xf32, #tpu.memory_space<hbm>> -> memref<1x64x128xf32, #tpu.memory_space<hbm>>
      %dma_start3A_612 = tpu.memref_squeeze %dma_start3A_611 : memref<1x64x128xf32, #tpu.memory_space<hbm>> -> memref<64x128xf32, #tpu.memory_space<hbm>>
      %dma_start3A_613 = arith.constant 0 : i32
      %dma_start3A_614 = tpu.memref_slice %arg4[%add3A_602, %add3A_604, %dma_start3A_613] : memref<50x4096x128xf32, #tpu.memory_space<hbm>> -> memref<1x64x128xf32, #tpu.memory_space<hbm>>
      %dma_start3A_615 = tpu.memref_squeeze %dma_start3A_614 : memref<1x64x128xf32, #tpu.memory_space<hbm>> -> memref<64x128xf32, #tpu.memory_space<hbm>>
      %dma_start3A_616 = arith.constant 0 : i32
      %dma_start3A_617 = arith.constant 0 : i32
      %dma_start3A_618 = tpu.memref_slice %arg6[%dma_start3A_605, %dma_start3A_616, %dma_start3A_617] : memref<10x64x128xf32, #tpu.memory_space<vmem>> -> memref<1x64x128xf32, #tpu.memory_space<vmem>>
      %dma_start3A_619 = tpu.memref_squeeze %dma_start3A_618 : memref<1x64x128xf32, #tpu.memory_space<vmem>> -> memref<64x128xf32, #tpu.memory_space<vmem>>
      tpu.enqueue_dma source(%dma_start3A_619 : memref<64x128xf32, #tpu.memory_space<vmem>>) target(%dma_start3A_615 : memref<64x128xf32, #tpu.memory_space<hbm>>) target_semaphore(%arg17 : memref<!tpu.dma_semaphore, #tpu.memory_space<semaphore_mem>>)
      %dma_wait3A_620 = arith.constant 0 : i32
      %dma_wait3A_621 = arith.constant 1 : i32
      %dma_wait3A_622 = arith.constant 0 : i32
      %dma_wait3A_623 = arith.constant 0 : i32
      %dma_wait3A_624 = tpu.memref_slice %arg6[%dma_wait3A_621, %dma_wait3A_622, %dma_wait3A_623] : memref<10x64x128xf32, #tpu.memory_space<vmem>> -> memref<1x64x128xf32, #tpu.memory_space<vmem>>
      %dma_wait3A_625 = tpu.memref_squeeze %dma_wait3A_624 : memref<1x64x128xf32, #tpu.memory_space<vmem>> -> memref<64x128xf32, #tpu.memory_space<vmem>>
      %dma_wait3A_626 = arith.constant 0 : i32
      %dma_wait3A_627 = tpu.memref_slice %arg5[%dma_wait3A_620, %dma_wait3A_626] : memref<50x128xi32, #tpu.memory_space<vmem>> -> memref<1x64xi32, #tpu.memory_space<vmem>>
      %dma_wait3A_628 = tpu.memref_squeeze %dma_wait3A_627 : memref<1x64xi32, #tpu.memory_space<vmem>> -> memref<64xi32, #tpu.memory_space<vmem>>
      %dma_wait3A_629 = arith.constant 0 : i32
      %dma_wait3A_630 = arith.constant 0 : i32
      %dma_wait3A_631 = tpu.memref_slice %arg3[%dma_wait3A_629, %dma_wait3A_630] : memref<100000x128xf32, #tpu.memory_space<hbm>> -> memref<100000x128xf32, #tpu.memory_space<hbm>>
      tpu.wait_indirect_dma semaphore(%arg8 : memref<!tpu.dma_semaphore, #tpu.memory_space<semaphore_mem>>) src(%dma_wait3A_631 : memref<100000x128xf32, #tpu.memory_space<hbm>>) dst(%dma_wait3A_625 : memref<64x128xf32, #tpu.memory_space<vmem>>)
      %add3A_632 = arith.constant 0 : i32
      %add3A_633 = arith.addi %mul3A_588, %add3A_632 : i32
      %add3A_634 = arith.constant 64 : i32
      %add3A_635 = arith.addi %mul3A_2, %add3A_634 : i32
      %dma_start3A_636 = arith.constant 1 : i32
      %dma_start3A_637 = arith.constant 0 : i32
      %dma_start3A_638 = arith.constant 0 : i32
      %dma_start3A_639 = tpu.memref_slice %arg6[%dma_start3A_636, %dma_start3A_637, %dma_start3A_638] : memref<10x64x128xf32, #tpu.memory_space<vmem>> -> memref<1x64x128xf32, #tpu.memory_space<vmem>>
      %dma_start3A_640 = tpu.memref_squeeze %dma_start3A_639 : memref<1x64x128xf32, #tpu.memory_space<vmem>> -> memref<64x128xf32, #tpu.memory_space<vmem>>
      %dma_start3A_641 = arith.constant 0 : i32
      %dma_start3A_642 = tpu.memref_slice %arg4[%add3A_633, %add3A_635, %dma_start3A_641] : memref<50x4096x128xf32, #tpu.memory_space<hbm>> -> memref<1x64x128xf32, #tpu.memory_space<hbm>>
      %dma_start3A_643 = tpu.memref_squeeze %dma_start3A_642 : memref<1x64x128xf32, #tpu.memory_space<hbm>> -> memref<64x128xf32, #tpu.memory_space<hbm>>
      %dma_start3A_644 = arith.constant 0 : i32
      %dma_start3A_645 = tpu.memref_slice %arg4[%add3A_633, %add3A_635, %dma_start3A_644] : memref<50x4096x128xf32, #tpu.memory_space<hbm>> -> memref<1x64x128xf32, #tpu.memory_space<hbm>>
      %dma_start3A_646 = tpu.memref_squeeze %dma_start3A_645 : memref<1x64x128xf32, #tpu.memory_space<hbm>> -> memref<64x128xf32, #tpu.memory_space<hbm>>
      %dma_start3A_647 = arith.constant 0 : i32
      %dma_start3A_648 = arith.constant 0 : i32
      %dma_start3A_649 = tpu.memref_slice %arg6[%dma_start3A_636, %dma_start3A_647, %dma_start3A_648] : memref<10x64x128xf32, #tpu.memory_space<vmem>> -> memref<1x64x128xf32, #tpu.memory_space<vmem>>
      %dma_start3A_650 = tpu.memref_squeeze %dma_start3A_649 : memref<1x64x128xf32, #tpu.memory_space<vmem>> -> memref<64x128xf32, #tpu.memory_space<vmem>>
      tpu.enqueue_dma source(%dma_start3A_650 : memref<64x128xf32, #tpu.memory_space<vmem>>) target(%dma_start3A_646 : memref<64x128xf32, #tpu.memory_space<hbm>>) target_semaphore(%arg18 : memref<!tpu.dma_semaphore, #tpu.memory_space<semaphore_mem>>)
      %dma_wait3A_651 = arith.constant 0 : i32
      %dma_wait3A_652 = arith.constant 2 : i32
      %dma_wait3A_653 = arith.constant 0 : i32
      %dma_wait3A_654 = arith.constant 0 : i32
      %dma_wait3A_655 = tpu.memref_slice %arg6[%dma_wait3A_652, %dma_wait3A_653, %dma_wait3A_654] : memref<10x64x128xf32, #tpu.memory_space<vmem>> -> memref<1x64x128xf32, #tpu.memory_space<vmem>>
      %dma_wait3A_656 = tpu.memref_squeeze %dma_wait3A_655 : memref<1x64x128xf32, #tpu.memory_space<vmem>> -> memref<64x128xf32, #tpu.memory_space<vmem>>
      %dma_wait3A_657 = arith.constant 0 : i32
      %dma_wait3A_658 = tpu.memref_slice %arg5[%dma_wait3A_651, %dma_wait3A_657] : memref<50x128xi32, #tpu.memory_space<vmem>> -> memref<1x64xi32, #tpu.memory_space<vmem>>
      %dma_wait3A_659 = tpu.memref_squeeze %dma_wait3A_658 : memref<1x64xi32, #tpu.memory_space<vmem>> -> memref<64xi32, #tpu.memory_space<vmem>>
      %dma_wait3A_660 = arith.constant 0 : i32
      %dma_wait3A_661 = arith.constant 0 : i32
      %dma_wait3A_662 = tpu.memref_slice %arg3[%dma_wait3A_660, %dma_wait3A_661] : memref<100000x128xf32, #tpu.memory_space<hbm>> -> memref<100000x128xf32, #tpu.memory_space<hbm>>
      tpu.wait_indirect_dma semaphore(%arg9 : memref<!tpu.dma_semaphore, #tpu.memory_space<semaphore_mem>>) src(%dma_wait3A_662 : memref<100000x128xf32, #tpu.memory_space<hbm>>) dst(%dma_wait3A_656 : memref<64x128xf32, #tpu.memory_space<vmem>>)
      %add3A_663 = arith.constant 1 : i32
      %add3A_664 = arith.addi %mul3A_588, %add3A_663 : i32
      %add3A_665 = arith.constant 0 : i32
      %add3A_666 = arith.addi %mul3A_2, %add3A_665 : i32
      %dma_start3A_667 = arith.constant 2 : i32
      %dma_start3A_668 = arith.constant 0 : i32
      %dma_start3A_669 = arith.constant 0 : i32
      %dma_start3A_670 = tpu.memref_slice %arg6[%dma_start3A_667, %dma_start3A_668, %dma_start3A_669] : memref<10x64x128xf32, #tpu.memory_space<vmem>> -> memref<1x64x128xf32, #tpu.memory_space<vmem>>
      %dma_start3A_671 = tpu.memref_squeeze %dma_start3A_670 : memref<1x64x128xf32, #tpu.memory_space<vmem>> -> memref<64x128xf32, #tpu.memory_space<vmem>>
      %dma_start3A_672 = arith.constant 0 : i32
      %dma_start3A_673 = tpu.memref_slice %arg4[%add3A_664, %add3A_666, %dma_start3A_672] : memref<50x4096x128xf32, #tpu.memory_space<hbm>> -> memref<1x64x128xf32, #tpu.memory_space<hbm>>
      %dma_start3A_674 = tpu.memref_squeeze %dma_start3A_673 : memref<1x64x128xf32, #tpu.memory_space<hbm>> -> memref<64x128xf32, #tpu.memory_space<hbm>>
      %dma_start3A_675 = arith.constant 0 : i32
      %dma_start3A_676 = tpu.memref_slice %arg4[%add3A_664, %add3A_666, %dma_start3A_675] : memref<50x4096x128xf32, #tpu.memory_space<hbm>> -> memref<1x64x128xf32, #tpu.memory_space<hbm>>
      %dma_start3A_677 = tpu.memref_squeeze %dma_start3A_676 : memref<1x64x128xf32, #tpu.memory_space<hbm>> -> memref<64x128xf32, #tpu.memory_space<hbm>>
      %dma_start3A_678 = arith.constant 0 : i32
      %dma_start3A_679 = arith.constant 0 : i32
      %dma_start3A_680 = tpu.memref_slice %arg6[%dma_start3A_667, %dma_start3A_678, %dma_start3A_679] : memref<10x64x128xf32, #tpu.memory_space<vmem>> -> memref<1x64x128xf32, #tpu.memory_space<vmem>>
      %dma_start3A_681 = tpu.memref_squeeze %dma_start3A_680 : memref<1x64x128xf32, #tpu.memory_space<vmem>> -> memref<64x128xf32, #tpu.memory_space<vmem>>
      tpu.enqueue_dma source(%dma_start3A_681 : memref<64x128xf32, #tpu.memory_space<vmem>>) target(%dma_start3A_677 : memref<64x128xf32, #tpu.memory_space<hbm>>) target_semaphore(%arg19 : memref<!tpu.dma_semaphore, #tpu.memory_space<semaphore_mem>>)
      %dma_wait3A_682 = arith.constant 0 : i32
      %dma_wait3A_683 = arith.constant 3 : i32
      %dma_wait3A_684 = arith.constant 0 : i32
      %dma_wait3A_685 = arith.constant 0 : i32
      %dma_wait3A_686 = tpu.memref_slice %arg6[%dma_wait3A_683, %dma_wait3A_684, %dma_wait3A_685] : memref<10x64x128xf32, #tpu.memory_space<vmem>> -> memref<1x64x128xf32, #tpu.memory_space<vmem>>
      %dma_wait3A_687 = tpu.memref_squeeze %dma_wait3A_686 : memref<1x64x128xf32, #tpu.memory_space<vmem>> -> memref<64x128xf32, #tpu.memory_space<vmem>>
      %dma_wait3A_688 = arith.constant 0 : i32
      %dma_wait3A_689 = tpu.memref_slice %arg5[%dma_wait3A_682, %dma_wait3A_688] : memref<50x128xi32, #tpu.memory_space<vmem>> -> memref<1x64xi32, #tpu.memory_space<vmem>>
      %dma_wait3A_690 = tpu.memref_squeeze %dma_wait3A_689 : memref<1x64xi32, #tpu.memory_space<vmem>> -> memref<64xi32, #tpu.memory_space<vmem>>
      %dma_wait3A_691 = arith.constant 0 : i32
      %dma_wait3A_692 = arith.constant 0 : i32
      %dma_wait3A_693 = tpu.memref_slice %arg3[%dma_wait3A_691, %dma_wait3A_692] : memref<100000x128xf32, #tpu.memory_space<hbm>> -> memref<100000x128xf32, #tpu.memory_space<hbm>>
      tpu.wait_indirect_dma semaphore(%arg10 : memref<!tpu.dma_semaphore, #tpu.memory_space<semaphore_mem>>) src(%dma_wait3A_693 : memref<100000x128xf32, #tpu.memory_space<hbm>>) dst(%dma_wait3A_687 : memref<64x128xf32, #tpu.memory_space<vmem>>)
      %add3A_694 = arith.constant 1 : i32
      %add3A_695 = arith.addi %mul3A_588, %add3A_694 : i32
      %add3A_696 = arith.constant 64 : i32
      %add3A_697 = arith.addi %mul3A_2, %add3A_696 : i32
      %dma_start3A_698 = arith.constant 3 : i32
      %dma_start3A_699 = arith.constant 0 : i32
      %dma_start3A_700 = arith.constant 0 : i32
      %dma_start3A_701 = tpu.memref_slice %arg6[%dma_start3A_698, %dma_start3A_699, %dma_start3A_700] : memref<10x64x128xf32, #tpu.memory_space<vmem>> -> memref<1x64x128xf32, #tpu.memory_space<vmem>>
      %dma_start3A_702 = tpu.memref_squeeze %dma_start3A_701 : memref<1x64x128xf32, #tpu.memory_space<vmem>> -> memref<64x128xf32, #tpu.memory_space<vmem>>
      %dma_start3A_703 = arith.constant 0 : i32
      %dma_start3A_704 = tpu.memref_slice %arg4[%add3A_695, %add3A_697, %dma_start3A_703] : memref<50x4096x128xf32, #tpu.memory_space<hbm>> -> memref<1x64x128xf32, #tpu.memory_space<hbm>>
      %dma_start3A_705 = tpu.memref_squeeze %dma_start3A_704 : memref<1x64x128xf32, #tpu.memory_space<hbm>> -> memref<64x128xf32, #tpu.memory_space<hbm>>
      %dma_start3A_706 = arith.constant 0 : i32
      %dma_start3A_707 = tpu.memref_slice %arg4[%add3A_695, %add3A_697, %dma_start3A_706] : memref<50x4096x128xf32, #tpu.memory_space<hbm>> -> memref<1x64x128xf32, #tpu.memory_space<hbm>>
      %dma_start3A_708 = tpu.memref_squeeze %dma_start3A_707 : memref<1x64x128xf32, #tpu.memory_space<hbm>> -> memref<64x128xf32, #tpu.memory_space<hbm>>
      %dma_start3A_709 = arith.constant 0 : i32
      %dma_start3A_710 = arith.constant 0 : i32
      %dma_start3A_711 = tpu.memref_slice %arg6[%dma_start3A_698, %dma_start3A_709, %dma_start3A_710] : memref<10x64x128xf32, #tpu.memory_space<vmem>> -> memref<1x64x128xf32, #tpu.memory_space<vmem>>
      %dma_start3A_712 = tpu.memref_squeeze %dma_start3A_711 : memref<1x64x128xf32, #tpu.memory_space<vmem>> -> memref<64x128xf32, #tpu.memory_space<vmem>>
      tpu.enqueue_dma source(%dma_start3A_712 : memref<64x128xf32, #tpu.memory_space<vmem>>) target(%dma_start3A_708 : memref<64x128xf32, #tpu.memory_space<hbm>>) target_semaphore(%arg20 : memref<!tpu.dma_semaphore, #tpu.memory_space<semaphore_mem>>)
      %dma_wait3A_713 = arith.constant 0 : i32
      %dma_wait3A_714 = arith.constant 4 : i32
      %dma_wait3A_715 = arith.constant 0 : i32
      %dma_wait3A_716 = arith.constant 0 : i32
      %dma_wait3A_717 = tpu.memref_slice %arg6[%dma_wait3A_714, %dma_wait3A_715, %dma_wait3A_716] : memref<10x64x128xf32, #tpu.memory_space<vmem>> -> memref<1x64x128xf32, #tpu.memory_space<vmem>>
      %dma_wait3A_718 = tpu.memref_squeeze %dma_wait3A_717 : memref<1x64x128xf32, #tpu.memory_space<vmem>> -> memref<64x128xf32, #tpu.memory_space<vmem>>
      %dma_wait3A_719 = arith.constant 0 : i32
      %dma_wait3A_720 = tpu.memref_slice %arg5[%dma_wait3A_713, %dma_wait3A_719] : memref<50x128xi32, #tpu.memory_space<vmem>> -> memref<1x64xi32, #tpu.memory_space<vmem>>
      %dma_wait3A_721 = tpu.memref_squeeze %dma_wait3A_720 : memref<1x64xi32, #tpu.memory_space<vmem>> -> memref<64xi32, #tpu.memory_space<vmem>>
      %dma_wait3A_722 = arith.constant 0 : i32
      %dma_wait3A_723 = arith.constant 0 : i32
      %dma_wait3A_724 = tpu.memref_slice %arg3[%dma_wait3A_722, %dma_wait3A_723] : memref<100000x128xf32, #tpu.memory_space<hbm>> -> memref<100000x128xf32, #tpu.memory_space<hbm>>
      tpu.wait_indirect_dma semaphore(%arg11 : memref<!tpu.dma_semaphore, #tpu.memory_space<semaphore_mem>>) src(%dma_wait3A_724 : memref<100000x128xf32, #tpu.memory_space<hbm>>) dst(%dma_wait3A_718 : memref<64x128xf32, #tpu.memory_space<vmem>>)
      %add3A_725 = arith.constant 2 : i32
      %add3A_726 = arith.addi %mul3A_588, %add3A_725 : i32
      %add3A_727 = arith.constant 0 : i32
      %add3A_728 = arith.addi %mul3A_2, %add3A_727 : i32
      %dma_start3A_729 = arith.constant 4 : i32
      %dma_start3A_730 = arith.constant 0 : i32
      %dma_start3A_731 = arith.constant 0 : i32
      %dma_start3A_732 = tpu.memref_slice %arg6[%dma_start3A_729, %dma_start3A_730, %dma_start3A_731] : memref<10x64x128xf32, #tpu.memory_space<vmem>> -> memref<1x64x128xf32, #tpu.memory_space<vmem>>
      %dma_start3A_733 = tpu.memref_squeeze %dma_start3A_732 : memref<1x64x128xf32, #tpu.memory_space<vmem>> -> memref<64x128xf32, #tpu.memory_space<vmem>>
      %dma_start3A_734 = arith.constant 0 : i32
      %dma_start3A_735 = tpu.memref_slice %arg4[%add3A_726, %add3A_728, %dma_start3A_734] : memref<50x4096x128xf32, #tpu.memory_space<hbm>> -> memref<1x64x128xf32, #tpu.memory_space<hbm>>
      %dma_start3A_736 = tpu.memref_squeeze %dma_start3A_735 : memref<1x64x128xf32, #tpu.memory_space<hbm>> -> memref<64x128xf32, #tpu.memory_space<hbm>>
      %dma_start3A_737 = arith.constant 0 : i32
      %dma_start3A_738 = tpu.memref_slice %arg4[%add3A_726, %add3A_728, %dma_start3A_737] : memref<50x4096x128xf32, #tpu.memory_space<hbm>> -> memref<1x64x128xf32, #tpu.memory_space<hbm>>
      %dma_start3A_739 = tpu.memref_squeeze %dma_start3A_738 : memref<1x64x128xf32, #tpu.memory_space<hbm>> -> memref<64x128xf32, #tpu.memory_space<hbm>>
      %dma_start3A_740 = arith.constant 0 : i32
      %dma_start3A_741 = arith.constant 0 : i32
      %dma_start3A_742 = tpu.memref_slice %arg6[%dma_start3A_729, %dma_start3A_740, %dma_start3A_741] : memref<10x64x128xf32, #tpu.memory_space<vmem>> -> memref<1x64x128xf32, #tpu.memory_space<vmem>>
      %dma_start3A_743 = tpu.memref_squeeze %dma_start3A_742 : memref<1x64x128xf32, #tpu.memory_space<vmem>> -> memref<64x128xf32, #tpu.memory_space<vmem>>
      tpu.enqueue_dma source(%dma_start3A_743 : memref<64x128xf32, #tpu.memory_space<vmem>>) target(%dma_start3A_739 : memref<64x128xf32, #tpu.memory_space<hbm>>) target_semaphore(%arg21 : memref<!tpu.dma_semaphore, #tpu.memory_space<semaphore_mem>>)
      %dma_wait3A_744 = arith.constant 0 : i32
      %dma_wait3A_745 = arith.constant 5 : i32
      %dma_wait3A_746 = arith.constant 0 : i32
      %dma_wait3A_747 = arith.constant 0 : i32
      %dma_wait3A_748 = tpu.memref_slice %arg6[%dma_wait3A_745, %dma_wait3A_746, %dma_wait3A_747] : memref<10x64x128xf32, #tpu.memory_space<vmem>> -> memref<1x64x128xf32, #tpu.memory_space<vmem>>
      %dma_wait3A_749 = tpu.memref_squeeze %dma_wait3A_748 : memref<1x64x128xf32, #tpu.memory_space<vmem>> -> memref<64x128xf32, #tpu.memory_space<vmem>>
      %dma_wait3A_750 = arith.constant 0 : i32
      %dma_wait3A_751 = tpu.memref_slice %arg5[%dma_wait3A_744, %dma_wait3A_750] : memref<50x128xi32, #tpu.memory_space<vmem>> -> memref<1x64xi32, #tpu.memory_space<vmem>>
      %dma_wait3A_752 = tpu.memref_squeeze %dma_wait3A_751 : memref<1x64xi32, #tpu.memory_space<vmem>> -> memref<64xi32, #tpu.memory_space<vmem>>
      %dma_wait3A_753 = arith.constant 0 : i32
      %dma_wait3A_754 = arith.constant 0 : i32
      %dma_wait3A_755 = tpu.memref_slice %arg3[%dma_wait3A_753, %dma_wait3A_754] : memref<100000x128xf32, #tpu.memory_space<hbm>> -> memref<100000x128xf32, #tpu.memory_space<hbm>>
      tpu.wait_indirect_dma semaphore(%arg12 : memref<!tpu.dma_semaphore, #tpu.memory_space<semaphore_mem>>) src(%dma_wait3A_755 : memref<100000x128xf32, #tpu.memory_space<hbm>>) dst(%dma_wait3A_749 : memref<64x128xf32, #tpu.memory_space<vmem>>)
      %add3A_756 = arith.constant 2 : i32
      %add3A_757 = arith.addi %mul3A_588, %add3A_756 : i32
      %add3A_758 = arith.constant 64 : i32
      %add3A_759 = arith.addi %mul3A_2, %add3A_758 : i32
      %dma_start3A_760 = arith.constant 5 : i32
      %dma_start3A_761 = arith.constant 0 : i32
      %dma_start3A_762 = arith.constant 0 : i32
      %dma_start3A_763 = tpu.memref_slice %arg6[%dma_start3A_760, %dma_start3A_761, %dma_start3A_762] : memref<10x64x128xf32, #tpu.memory_space<vmem>> -> memref<1x64x128xf32, #tpu.memory_space<vmem>>
      %dma_start3A_764 = tpu.memref_squeeze %dma_start3A_763 : memref<1x64x128xf32, #tpu.memory_space<vmem>> -> memref<64x128xf32, #tpu.memory_space<vmem>>
      %dma_start3A_765 = arith.constant 0 : i32
      %dma_start3A_766 = tpu.memref_slice %arg4[%add3A_757, %add3A_759, %dma_start3A_765] : memref<50x4096x128xf32, #tpu.memory_space<hbm>> -> memref<1x64x128xf32, #tpu.memory_space<hbm>>
      %dma_start3A_767 = tpu.memref_squeeze %dma_start3A_766 : memref<1x64x128xf32, #tpu.memory_space<hbm>> -> memref<64x128xf32, #tpu.memory_space<hbm>>
      %dma_start3A_768 = arith.constant 0 : i32
      %dma_start3A_769 = tpu.memref_slice %arg4[%add3A_757, %add3A_759, %dma_start3A_768] : memref<50x4096x128xf32, #tpu.memory_space<hbm>> -> memref<1x64x128xf32, #tpu.memory_space<hbm>>
      %dma_start3A_770 = tpu.memref_squeeze %dma_start3A_769 : memref<1x64x128xf32, #tpu.memory_space<hbm>> -> memref<64x128xf32, #tpu.memory_space<hbm>>
      %dma_start3A_771 = arith.constant 0 : i32
      %dma_start3A_772 = arith.constant 0 : i32
      %dma_start3A_773 = tpu.memref_slice %arg6[%dma_start3A_760, %dma_start3A_771, %dma_start3A_772] : memref<10x64x128xf32, #tpu.memory_space<vmem>> -> memref<1x64x128xf32, #tpu.memory_space<vmem>>
      %dma_start3A_774 = tpu.memref_squeeze %dma_start3A_773 : memref<1x64x128xf32, #tpu.memory_space<vmem>> -> memref<64x128xf32, #tpu.memory_space<vmem>>
      tpu.enqueue_dma source(%dma_start3A_774 : memref<64x128xf32, #tpu.memory_space<vmem>>) target(%dma_start3A_770 : memref<64x128xf32, #tpu.memory_space<hbm>>) target_semaphore(%arg22 : memref<!tpu.dma_semaphore, #tpu.memory_space<semaphore_mem>>)
      %dma_wait3A_775 = arith.constant 0 : i32
      %dma_wait3A_776 = arith.constant 6 : i32
      %dma_wait3A_777 = arith.constant 0 : i32
      %dma_wait3A_778 = arith.constant 0 : i32
      %dma_wait3A_779 = tpu.memref_slice %arg6[%dma_wait3A_776, %dma_wait3A_777, %dma_wait3A_778] : memref<10x64x128xf32, #tpu.memory_space<vmem>> -> memref<1x64x128xf32, #tpu.memory_space<vmem>>
      %dma_wait3A_780 = tpu.memref_squeeze %dma_wait3A_779 : memref<1x64x128xf32, #tpu.memory_space<vmem>> -> memref<64x128xf32, #tpu.memory_space<vmem>>
      %dma_wait3A_781 = arith.constant 0 : i32
      %dma_wait3A_782 = tpu.memref_slice %arg5[%dma_wait3A_775, %dma_wait3A_781] : memref<50x128xi32, #tpu.memory_space<vmem>> -> memref<1x64xi32, #tpu.memory_space<vmem>>
      %dma_wait3A_783 = tpu.memref_squeeze %dma_wait3A_782 : memref<1x64xi32, #tpu.memory_space<vmem>> -> memref<64xi32, #tpu.memory_space<vmem>>
      %dma_wait3A_784 = arith.constant 0 : i32
      %dma_wait3A_785 = arith.constant 0 : i32
      %dma_wait3A_786 = tpu.memref_slice %arg3[%dma_wait3A_784, %dma_wait3A_785] : memref<100000x128xf32, #tpu.memory_space<hbm>> -> memref<100000x128xf32, #tpu.memory_space<hbm>>
      tpu.wait_indirect_dma semaphore(%arg13 : memref<!tpu.dma_semaphore, #tpu.memory_space<semaphore_mem>>) src(%dma_wait3A_786 : memref<100000x128xf32, #tpu.memory_space<hbm>>) dst(%dma_wait3A_780 : memref<64x128xf32, #tpu.memory_space<vmem>>)
      %add3A_787 = arith.constant 3 : i32
      %add3A_788 = arith.addi %mul3A_588, %add3A_787 : i32
      %add3A_789 = arith.constant 0 : i32
      %add3A_790 = arith.addi %mul3A_2, %add3A_789 : i32
      %dma_start3A_791 = arith.constant 6 : i32
      %dma_start3A_792 = arith.constant 0 : i32
      %dma_start3A_793 = arith.constant 0 : i32
      %dma_start3A_794 = tpu.memref_slice %arg6[%dma_start3A_791, %dma_start3A_792, %dma_start3A_793] : memref<10x64x128xf32, #tpu.memory_space<vmem>> -> memref<1x64x128xf32, #tpu.memory_space<vmem>>
      %dma_start3A_795 = tpu.memref_squeeze %dma_start3A_794 : memref<1x64x128xf32, #tpu.memory_space<vmem>> -> memref<64x128xf32, #tpu.memory_space<vmem>>
      %dma_start3A_796 = arith.constant 0 : i32
      %dma_start3A_797 = tpu.memref_slice %arg4[%add3A_788, %add3A_790, %dma_start3A_796] : memref<50x4096x128xf32, #tpu.memory_space<hbm>> -> memref<1x64x128xf32, #tpu.memory_space<hbm>>
      %dma_start3A_798 = tpu.memref_squeeze %dma_start3A_797 : memref<1x64x128xf32, #tpu.memory_space<hbm>> -> memref<64x128xf32, #tpu.memory_space<hbm>>
      %dma_start3A_799 = arith.constant 0 : i32
      %dma_start3A_800 = tpu.memref_slice %arg4[%add3A_788, %add3A_790, %dma_start3A_799] : memref<50x4096x128xf32, #tpu.memory_space<hbm>> -> memref<1x64x128xf32, #tpu.memory_space<hbm>>
      %dma_start3A_801 = tpu.memref_squeeze %dma_start3A_800 : memref<1x64x128xf32, #tpu.memory_space<hbm>> -> memref<64x128xf32, #tpu.memory_space<hbm>>
      %dma_start3A_802 = arith.constant 0 : i32
      %dma_start3A_803 = arith.constant 0 : i32
      %dma_start3A_804 = tpu.memref_slice %arg6[%dma_start3A_791, %dma_start3A_802, %dma_start3A_803] : memref<10x64x128xf32, #tpu.memory_space<vmem>> -> memref<1x64x128xf32, #tpu.memory_space<vmem>>
      %dma_start3A_805 = tpu.memref_squeeze %dma_start3A_804 : memref<1x64x128xf32, #tpu.memory_space<vmem>> -> memref<64x128xf32, #tpu.memory_space<vmem>>
      tpu.enqueue_dma source(%dma_start3A_805 : memref<64x128xf32, #tpu.memory_space<vmem>>) target(%dma_start3A_801 : memref<64x128xf32, #tpu.memory_space<hbm>>) target_semaphore(%arg23 : memref<!tpu.dma_semaphore, #tpu.memory_space<semaphore_mem>>)
      %dma_wait3A_806 = arith.constant 0 : i32
      %dma_wait3A_807 = arith.constant 7 : i32
      %dma_wait3A_808 = arith.constant 0 : i32
      %dma_wait3A_809 = arith.constant 0 : i32
      %dma_wait3A_810 = tpu.memref_slice %arg6[%dma_wait3A_807, %dma_wait3A_808, %dma_wait3A_809] : memref<10x64x128xf32, #tpu.memory_space<vmem>> -> memref<1x64x128xf32, #tpu.memory_space<vmem>>
      %dma_wait3A_811 = tpu.memref_squeeze %dma_wait3A_810 : memref<1x64x128xf32, #tpu.memory_space<vmem>> -> memref<64x128xf32, #tpu.memory_space<vmem>>
      %dma_wait3A_812 = arith.constant 0 : i32
      %dma_wait3A_813 = tpu.memref_slice %arg5[%dma_wait3A_806, %dma_wait3A_812] : memref<50x128xi32, #tpu.memory_space<vmem>> -> memref<1x64xi32, #tpu.memory_space<vmem>>
      %dma_wait3A_814 = tpu.memref_squeeze %dma_wait3A_813 : memref<1x64xi32, #tpu.memory_space<vmem>> -> memref<64xi32, #tpu.memory_space<vmem>>
      %dma_wait3A_815 = arith.constant 0 : i32
      %dma_wait3A_816 = arith.constant 0 : i32
      %dma_wait3A_817 = tpu.memref_slice %arg3[%dma_wait3A_815, %dma_wait3A_816] : memref<100000x128xf32, #tpu.memory_space<hbm>> -> memref<100000x128xf32, #tpu.memory_space<hbm>>
      tpu.wait_indirect_dma semaphore(%arg14 : memref<!tpu.dma_semaphore, #tpu.memory_space<semaphore_mem>>) src(%dma_wait3A_817 : memref<100000x128xf32, #tpu.memory_space<hbm>>) dst(%dma_wait3A_811 : memref<64x128xf32, #tpu.memory_space<vmem>>)
      %add3A_818 = arith.constant 3 : i32
      %add3A_819 = arith.addi %mul3A_588, %add3A_818 : i32
      %add3A_820 = arith.constant 64 : i32
      %add3A_821 = arith.addi %mul3A_2, %add3A_820 : i32
      %dma_start3A_822 = arith.constant 7 : i32
      %dma_start3A_823 = arith.constant 0 : i32
      %dma_start3A_824 = arith.constant 0 : i32
      %dma_start3A_825 = tpu.memref_slice %arg6[%dma_start3A_822, %dma_start3A_823, %dma_start3A_824] : memref<10x64x128xf32, #tpu.memory_space<vmem>> -> memref<1x64x128xf32, #tpu.memory_space<vmem>>
      %dma_start3A_826 = tpu.memref_squeeze %dma_start3A_825 : memref<1x64x128xf32, #tpu.memory_space<vmem>> -> memref<64x128xf32, #tpu.memory_space<vmem>>
      %dma_start3A_827 = arith.constant 0 : i32
      %dma_start3A_828 = tpu.memref_slice %arg4[%add3A_819, %add3A_821, %dma_start3A_827] : memref<50x4096x128xf32, #tpu.memory_space<hbm>> -> memref<1x64x128xf32, #tpu.memory_space<hbm>>
      %dma_start3A_829 = tpu.memref_squeeze %dma_start3A_828 : memref<1x64x128xf32, #tpu.memory_space<hbm>> -> memref<64x128xf32, #tpu.memory_space<hbm>>
      %dma_start3A_830 = arith.constant 0 : i32
      %dma_start3A_831 = tpu.memref_slice %arg4[%add3A_819, %add3A_821, %dma_start3A_830] : memref<50x4096x128xf32, #tpu.memory_space<hbm>> -> memref<1x64x128xf32, #tpu.memory_space<hbm>>
      %dma_start3A_832 = tpu.memref_squeeze %dma_start3A_831 : memref<1x64x128xf32, #tpu.memory_space<hbm>> -> memref<64x128xf32, #tpu.memory_space<hbm>>
      %dma_start3A_833 = arith.constant 0 : i32
      %dma_start3A_834 = arith.constant 0 : i32
      %dma_start3A_835 = tpu.memref_slice %arg6[%dma_start3A_822, %dma_start3A_833, %dma_start3A_834] : memref<10x64x128xf32, #tpu.memory_space<vmem>> -> memref<1x64x128xf32, #tpu.memory_space<vmem>>
      %dma_start3A_836 = tpu.memref_squeeze %dma_start3A_835 : memref<1x64x128xf32, #tpu.memory_space<vmem>> -> memref<64x128xf32, #tpu.memory_space<vmem>>
      tpu.enqueue_dma source(%dma_start3A_836 : memref<64x128xf32, #tpu.memory_space<vmem>>) target(%dma_start3A_832 : memref<64x128xf32, #tpu.memory_space<hbm>>) target_semaphore(%arg24 : memref<!tpu.dma_semaphore, #tpu.memory_space<semaphore_mem>>)
      %dma_wait3A_837 = arith.constant 0 : i32
      %dma_wait3A_838 = arith.constant 8 : i32
      %dma_wait3A_839 = arith.constant 0 : i32
      %dma_wait3A_840 = arith.constant 0 : i32
      %dma_wait3A_841 = tpu.memref_slice %arg6[%dma_wait3A_838, %dma_wait3A_839, %dma_wait3A_840] : memref<10x64x128xf32, #tpu.memory_space<vmem>> -> memref<1x64x128xf32, #tpu.memory_space<vmem>>
      %dma_wait3A_842 = tpu.memref_squeeze %dma_wait3A_841 : memref<1x64x128xf32, #tpu.memory_space<vmem>> -> memref<64x128xf32, #tpu.memory_space<vmem>>
      %dma_wait3A_843 = arith.constant 0 : i32
      %dma_wait3A_844 = tpu.memref_slice %arg5[%dma_wait3A_837, %dma_wait3A_843] : memref<50x128xi32, #tpu.memory_space<vmem>> -> memref<1x64xi32, #tpu.memory_space<vmem>>
      %dma_wait3A_845 = tpu.memref_squeeze %dma_wait3A_844 : memref<1x64xi32, #tpu.memory_space<vmem>> -> memref<64xi32, #tpu.memory_space<vmem>>
      %dma_wait3A_846 = arith.constant 0 : i32
      %dma_wait3A_847 = arith.constant 0 : i32
      %dma_wait3A_848 = tpu.memref_slice %arg3[%dma_wait3A_846, %dma_wait3A_847] : memref<100000x128xf32, #tpu.memory_space<hbm>> -> memref<100000x128xf32, #tpu.memory_space<hbm>>
      tpu.wait_indirect_dma semaphore(%arg15 : memref<!tpu.dma_semaphore, #tpu.memory_space<semaphore_mem>>) src(%dma_wait3A_848 : memref<100000x128xf32, #tpu.memory_space<hbm>>) dst(%dma_wait3A_842 : memref<64x128xf32, #tpu.memory_space<vmem>>)
      %add3A_849 = arith.constant 4 : i32
      %add3A_850 = arith.addi %mul3A_588, %add3A_849 : i32
      %add3A_851 = arith.constant 0 : i32
      %add3A_852 = arith.addi %mul3A_2, %add3A_851 : i32
      %dma_start3A_853 = arith.constant 8 : i32
      %dma_start3A_854 = arith.constant 0 : i32
      %dma_start3A_855 = arith.constant 0 : i32
      %dma_start3A_856 = tpu.memref_slice %arg6[%dma_start3A_853, %dma_start3A_854, %dma_start3A_855] : memref<10x64x128xf32, #tpu.memory_space<vmem>> -> memref<1x64x128xf32, #tpu.memory_space<vmem>>
      %dma_start3A_857 = tpu.memref_squeeze %dma_start3A_856 : memref<1x64x128xf32, #tpu.memory_space<vmem>> -> memref<64x128xf32, #tpu.memory_space<vmem>>
      %dma_start3A_858 = arith.constant 0 : i32
      %dma_start3A_859 = tpu.memref_slice %arg4[%add3A_850, %add3A_852, %dma_start3A_858] : memref<50x4096x128xf32, #tpu.memory_space<hbm>> -> memref<1x64x128xf32, #tpu.memory_space<hbm>>
      %dma_start3A_860 = tpu.memref_squeeze %dma_start3A_859 : memref<1x64x128xf32, #tpu.memory_space<hbm>> -> memref<64x128xf32, #tpu.memory_space<hbm>>
      %dma_start3A_861 = arith.constant 0 : i32
      %dma_start3A_862 = tpu.memref_slice %arg4[%add3A_850, %add3A_852, %dma_start3A_861] : memref<50x4096x128xf32, #tpu.memory_space<hbm>> -> memref<1x64x128xf32, #tpu.memory_space<hbm>>
      %dma_start3A_863 = tpu.memref_squeeze %dma_start3A_862 : memref<1x64x128xf32, #tpu.memory_space<hbm>> -> memref<64x128xf32, #tpu.memory_space<hbm>>
      %dma_start3A_864 = arith.constant 0 : i32
      %dma_start3A_865 = arith.constant 0 : i32
      %dma_start3A_866 = tpu.memref_slice %arg6[%dma_start3A_853, %dma_start3A_864, %dma_start3A_865] : memref<10x64x128xf32, #tpu.memory_space<vmem>> -> memref<1x64x128xf32, #tpu.memory_space<vmem>>
      %dma_start3A_867 = tpu.memref_squeeze %dma_start3A_866 : memref<1x64x128xf32, #tpu.memory_space<vmem>> -> memref<64x128xf32, #tpu.memory_space<vmem>>
      tpu.enqueue_dma source(%dma_start3A_867 : memref<64x128xf32, #tpu.memory_space<vmem>>) target(%dma_start3A_863 : memref<64x128xf32, #tpu.memory_space<hbm>>) target_semaphore(%arg25 : memref<!tpu.dma_semaphore, #tpu.memory_space<semaphore_mem>>)
      %dma_wait3A_868 = arith.constant 0 : i32
      %dma_wait3A_869 = arith.constant 9 : i32
      %dma_wait3A_870 = arith.constant 0 : i32
      %dma_wait3A_871 = arith.constant 0 : i32
      %dma_wait3A_872 = tpu.memref_slice %arg6[%dma_wait3A_869, %dma_wait3A_870, %dma_wait3A_871] : memref<10x64x128xf32, #tpu.memory_space<vmem>> -> memref<1x64x128xf32, #tpu.memory_space<vmem>>
      %dma_wait3A_873 = tpu.memref_squeeze %dma_wait3A_872 : memref<1x64x128xf32, #tpu.memory_space<vmem>> -> memref<64x128xf32, #tpu.memory_space<vmem>>
      %dma_wait3A_874 = arith.constant 0 : i32
      %dma_wait3A_875 = tpu.memref_slice %arg5[%dma_wait3A_868, %dma_wait3A_874] : memref<50x128xi32, #tpu.memory_space<vmem>> -> memref<1x64xi32, #tpu.memory_space<vmem>>
      %dma_wait3A_876 = tpu.memref_squeeze %dma_wait3A_875 : memref<1x64xi32, #tpu.memory_space<vmem>> -> memref<64xi32, #tpu.memory_space<vmem>>
      %dma_wait3A_877 = arith.constant 0 : i32
      %dma_wait3A_878 = arith.constant 0 : i32
      %dma_wait3A_879 = tpu.memref_slice %arg3[%dma_wait3A_877, %dma_wait3A_878] : memref<100000x128xf32, #tpu.memory_space<hbm>> -> memref<100000x128xf32, #tpu.memory_space<hbm>>
      tpu.wait_indirect_dma semaphore(%arg16 : memref<!tpu.dma_semaphore, #tpu.memory_space<semaphore_mem>>) src(%dma_wait3A_879 : memref<100000x128xf32, #tpu.memory_space<hbm>>) dst(%dma_wait3A_873 : memref<64x128xf32, #tpu.memory_space<vmem>>)
      %add3A_880 = arith.constant 4 : i32
      %add3A_881 = arith.addi %mul3A_588, %add3A_880 : i32
      %add3A_882 = arith.constant 64 : i32
      %add3A_883 = arith.addi %mul3A_2, %add3A_882 : i32
      %dma_start3A_884 = arith.constant 9 : i32
      %dma_start3A_885 = arith.constant 0 : i32
      %dma_start3A_886 = arith.constant 0 : i32
      %dma_start3A_887 = tpu.memref_slice %arg6[%dma_start3A_884, %dma_start3A_885, %dma_start3A_886] : memref<10x64x128xf32, #tpu.memory_space<vmem>> -> memref<1x64x128xf32, #tpu.memory_space<vmem>>
      %dma_start3A_888 = tpu.memref_squeeze %dma_start3A_887 : memref<1x64x128xf32, #tpu.memory_space<vmem>> -> memref<64x128xf32, #tpu.memory_space<vmem>>
      %dma_start3A_889 = arith.constant 0 : i32
      %dma_start3A_890 = tpu.memref_slice %arg4[%add3A_881, %add3A_883, %dma_start3A_889] : memref<50x4096x128xf32, #tpu.memory_space<hbm>> -> memref<1x64x128xf32, #tpu.memory_space<hbm>>
      %dma_start3A_891 = tpu.memref_squeeze %dma_start3A_890 : memref<1x64x128xf32, #tpu.memory_space<hbm>> -> memref<64x128xf32, #tpu.memory_space<hbm>>
      %dma_start3A_892 = arith.constant 0 : i32
      %dma_start3A_893 = tpu.memref_slice %arg4[%add3A_881, %add3A_883, %dma_start3A_892] : memref<50x4096x128xf32, #tpu.memory_space<hbm>> -> memref<1x64x128xf32, #tpu.memory_space<hbm>>
      %dma_start3A_894 = tpu.memref_squeeze %dma_start3A_893 : memref<1x64x128xf32, #tpu.memory_space<hbm>> -> memref<64x128xf32, #tpu.memory_space<hbm>>
      %dma_start3A_895 = arith.constant 0 : i32
      %dma_start3A_896 = arith.constant 0 : i32
      %dma_start3A_897 = tpu.memref_slice %arg6[%dma_start3A_884, %dma_start3A_895, %dma_start3A_896] : memref<10x64x128xf32, #tpu.memory_space<vmem>> -> memref<1x64x128xf32, #tpu.memory_space<vmem>>
      %dma_start3A_898 = tpu.memref_squeeze %dma_start3A_897 : memref<1x64x128xf32, #tpu.memory_space<vmem>> -> memref<64x128xf32, #tpu.memory_space<vmem>>
      tpu.enqueue_dma source(%dma_start3A_898 : memref<64x128xf32, #tpu.memory_space<vmem>>) target(%dma_start3A_894 : memref<64x128xf32, #tpu.memory_space<hbm>>) target_semaphore(%arg26 : memref<!tpu.dma_semaphore, #tpu.memory_space<semaphore_mem>>)
      %dma_wait3A_899 = arith.constant 0 : i32
      %dma_wait3A_900 = arith.constant 0 : i32
      %dma_wait3A_901 = arith.constant 0 : i32
      %dma_wait3A_902 = arith.constant 0 : i32
      %dma_wait3A_903 = tpu.memref_slice %arg6[%dma_wait3A_899, %dma_wait3A_901, %dma_wait3A_902] : memref<10x64x128xf32, #tpu.memory_space<vmem>> -> memref<1x64x128xf32, #tpu.memory_space<vmem>>
      %dma_wait3A_904 = tpu.memref_squeeze %dma_wait3A_903 : memref<1x64x128xf32, #tpu.memory_space<vmem>> -> memref<64x128xf32, #tpu.memory_space<vmem>>
      %dma_wait3A_905 = arith.constant 0 : i32
      %dma_wait3A_906 = tpu.memref_slice %arg4[%dma_wait3A_900, %mul3A_2, %dma_wait3A_905] : memref<50x4096x128xf32, #tpu.memory_space<hbm>> -> memref<1x64x128xf32, #tpu.memory_space<hbm>>
      %dma_wait3A_907 = tpu.memref_squeeze %dma_wait3A_906 : memref<1x64x128xf32, #tpu.memory_space<hbm>> -> memref<64x128xf32, #tpu.memory_space<hbm>>
      %dma_wait3A_908 = arith.constant 0 : i32
      %dma_wait3A_909 = tpu.memref_slice %arg4[%dma_wait3A_900, %mul3A_2, %dma_wait3A_908] : memref<50x4096x128xf32, #tpu.memory_space<hbm>> -> memref<1x64x128xf32, #tpu.memory_space<hbm>>
      %dma_wait3A_910 = tpu.memref_squeeze %dma_wait3A_909 : memref<1x64x128xf32, #tpu.memory_space<hbm>> -> memref<64x128xf32, #tpu.memory_space<hbm>>
      %dma_wait3A_911 = arith.constant 0 : i32
      %dma_wait3A_912 = arith.constant 0 : i32
      %dma_wait3A_913 = tpu.memref_slice %arg6[%dma_wait3A_899, %dma_wait3A_911, %dma_wait3A_912] : memref<10x64x128xf32, #tpu.memory_space<vmem>> -> memref<1x64x128xf32, #tpu.memory_space<vmem>>
      %dma_wait3A_914 = tpu.memref_squeeze %dma_wait3A_913 : memref<1x64x128xf32, #tpu.memory_space<vmem>> -> memref<64x128xf32, #tpu.memory_space<vmem>>
      tpu.wait_dma2 semaphore(%arg17 : memref<!tpu.dma_semaphore, #tpu.memory_space<semaphore_mem>>) src(%dma_wait3A_914 : memref<64x128xf32, #tpu.memory_space<vmem>>) dst(%dma_wait3A_910 : memref<64x128xf32, #tpu.memory_space<hbm>>)
      %add3A_915 = arith.constant 5 : i32
      %add3A_916 = arith.addi %mul3A_588, %add3A_915 : i32
      %add3A_917 = arith.constant 0 : i32
      %add3A_918 = arith.addi %add3A_916, %add3A_917 : i32
      %dma_start3A_919 = arith.constant 0 : i32
      %dma_start3A_920 = arith.constant 0 : i32
      %dma_start3A_921 = arith.constant 0 : i32
      %dma_start3A_922 = tpu.memref_slice %arg6[%dma_start3A_919, %dma_start3A_920, %dma_start3A_921] : memref<10x64x128xf32, #tpu.memory_space<vmem>> -> memref<1x64x128xf32, #tpu.memory_space<vmem>>
      %dma_start3A_923 = tpu.memref_squeeze %dma_start3A_922 : memref<1x64x128xf32, #tpu.memory_space<vmem>> -> memref<64x128xf32, #tpu.memory_space<vmem>>
      %dma_start3A_924 = arith.constant 0 : i32
      %dma_start3A_925 = tpu.memref_slice %arg5[%add3A_918, %dma_start3A_924] : memref<50x128xi32, #tpu.memory_space<vmem>> -> memref<1x64xi32, #tpu.memory_space<vmem>>
      %dma_start3A_926 = tpu.memref_squeeze %dma_start3A_925 : memref<1x64xi32, #tpu.memory_space<vmem>> -> memref<64xi32, #tpu.memory_space<vmem>>
      %dma_start3A_927 = arith.constant 0 : i32
      %dma_start3A_928 = arith.constant 0 : i32
      %dma_start3A_929 = tpu.memref_slice %arg3[%dma_start3A_927, %dma_start3A_928] : memref<100000x128xf32, #tpu.memory_space<hbm>> -> memref<100000x128xf32, #tpu.memory_space<hbm>>
      tpu.enqueue_indirect_dma source(%dma_start3A_929 : memref<100000x128xf32, #tpu.memory_space<hbm>>) target(%dma_start3A_923 : memref<64x128xf32, #tpu.memory_space<vmem>>) offsets(%dma_start3A_926 : memref<64xi32, #tpu.memory_space<vmem>>) semaphore(%arg7 : memref<!tpu.dma_semaphore, #tpu.memory_space<semaphore_mem>>)
      %dma_wait3A_930 = arith.constant 1 : i32
      %dma_wait3A_931 = arith.constant 0 : i32
      %dma_wait3A_932 = arith.constant 0 : i32
      %dma_wait3A_933 = arith.constant 0 : i32
      %dma_wait3A_934 = tpu.memref_slice %arg6[%dma_wait3A_930, %dma_wait3A_932, %dma_wait3A_933] : memref<10x64x128xf32, #tpu.memory_space<vmem>> -> memref<1x64x128xf32, #tpu.memory_space<vmem>>
      %dma_wait3A_935 = tpu.memref_squeeze %dma_wait3A_934 : memref<1x64x128xf32, #tpu.memory_space<vmem>> -> memref<64x128xf32, #tpu.memory_space<vmem>>
      %dma_wait3A_936 = arith.constant 0 : i32
      %dma_wait3A_937 = tpu.memref_slice %arg4[%dma_wait3A_931, %mul3A_2, %dma_wait3A_936] : memref<50x4096x128xf32, #tpu.memory_space<hbm>> -> memref<1x64x128xf32, #tpu.memory_space<hbm>>
      %dma_wait3A_938 = tpu.memref_squeeze %dma_wait3A_937 : memref<1x64x128xf32, #tpu.memory_space<hbm>> -> memref<64x128xf32, #tpu.memory_space<hbm>>
      %dma_wait3A_939 = arith.constant 0 : i32
      %dma_wait3A_940 = tpu.memref_slice %arg4[%dma_wait3A_931, %mul3A_2, %dma_wait3A_939] : memref<50x4096x128xf32, #tpu.memory_space<hbm>> -> memref<1x64x128xf32, #tpu.memory_space<hbm>>
      %dma_wait3A_941 = tpu.memref_squeeze %dma_wait3A_940 : memref<1x64x128xf32, #tpu.memory_space<hbm>> -> memref<64x128xf32, #tpu.memory_space<hbm>>
      %dma_wait3A_942 = arith.constant 0 : i32
      %dma_wait3A_943 = arith.constant 0 : i32
      %dma_wait3A_944 = tpu.memref_slice %arg6[%dma_wait3A_930, %dma_wait3A_942, %dma_wait3A_943] : memref<10x64x128xf32, #tpu.memory_space<vmem>> -> memref<1x64x128xf32, #tpu.memory_space<vmem>>
      %dma_wait3A_945 = tpu.memref_squeeze %dma_wait3A_944 : memref<1x64x128xf32, #tpu.memory_space<vmem>> -> memref<64x128xf32, #tpu.memory_space<vmem>>
      tpu.wait_dma2 semaphore(%arg18 : memref<!tpu.dma_semaphore, #tpu.memory_space<semaphore_mem>>) src(%dma_wait3A_945 : memref<64x128xf32, #tpu.memory_space<vmem>>) dst(%dma_wait3A_941 : memref<64x128xf32, #tpu.memory_space<hbm>>)
      %add3A_946 = arith.constant 5 : i32
      %add3A_947 = arith.addi %mul3A_588, %add3A_946 : i32
      %add3A_948 = arith.constant 0 : i32
      %add3A_949 = arith.addi %add3A_947, %add3A_948 : i32
      %dma_start3A_950 = arith.constant 1 : i32
      %dma_start3A_951 = arith.constant 0 : i32
      %dma_start3A_952 = arith.constant 0 : i32
      %dma_start3A_953 = tpu.memref_slice %arg6[%dma_start3A_950, %dma_start3A_951, %dma_start3A_952] : memref<10x64x128xf32, #tpu.memory_space<vmem>> -> memref<1x64x128xf32, #tpu.memory_space<vmem>>
      %dma_start3A_954 = tpu.memref_squeeze %dma_start3A_953 : memref<1x64x128xf32, #tpu.memory_space<vmem>> -> memref<64x128xf32, #tpu.memory_space<vmem>>
      %dma_start3A_955 = arith.constant 64 : i32
      %dma_start3A_956 = tpu.memref_slice %arg5[%add3A_949, %dma_start3A_955] : memref<50x128xi32, #tpu.memory_space<vmem>> -> memref<1x64xi32, #tpu.memory_space<vmem>>
      %dma_start3A_957 = tpu.memref_squeeze %dma_start3A_956 : memref<1x64xi32, #tpu.memory_space<vmem>> -> memref<64xi32, #tpu.memory_space<vmem>>
      %dma_start3A_958 = arith.constant 0 : i32
      %dma_start3A_959 = arith.constant 0 : i32
      %dma_start3A_960 = tpu.memref_slice %arg3[%dma_start3A_958, %dma_start3A_959] : memref<100000x128xf32, #tpu.memory_space<hbm>> -> memref<100000x128xf32, #tpu.memory_space<hbm>>
      tpu.enqueue_indirect_dma source(%dma_start3A_960 : memref<100000x128xf32, #tpu.memory_space<hbm>>) target(%dma_start3A_954 : memref<64x128xf32, #tpu.memory_space<vmem>>) offsets(%dma_start3A_957 : memref<64xi32, #tpu.memory_space<vmem>>) semaphore(%arg8 : memref<!tpu.dma_semaphore, #tpu.memory_space<semaphore_mem>>)
      %dma_wait3A_961 = arith.constant 2 : i32
      %dma_wait3A_962 = arith.constant 0 : i32
      %dma_wait3A_963 = arith.constant 0 : i32
      %dma_wait3A_964 = arith.constant 0 : i32
      %dma_wait3A_965 = tpu.memref_slice %arg6[%dma_wait3A_961, %dma_wait3A_963, %dma_wait3A_964] : memref<10x64x128xf32, #tpu.memory_space<vmem>> -> memref<1x64x128xf32, #tpu.memory_space<vmem>>
      %dma_wait3A_966 = tpu.memref_squeeze %dma_wait3A_965 : memref<1x64x128xf32, #tpu.memory_space<vmem>> -> memref<64x128xf32, #tpu.memory_space<vmem>>
      %dma_wait3A_967 = arith.constant 0 : i32
      %dma_wait3A_968 = tpu.memref_slice %arg4[%dma_wait3A_962, %mul3A_2, %dma_wait3A_967] : memref<50x4096x128xf32, #tpu.memory_space<hbm>> -> memref<1x64x128xf32, #tpu.memory_space<hbm>>
      %dma_wait3A_969 = tpu.memref_squeeze %dma_wait3A_968 : memref<1x64x128xf32, #tpu.memory_space<hbm>> -> memref<64x128xf32, #tpu.memory_space<hbm>>
      %dma_wait3A_970 = arith.constant 0 : i32
      %dma_wait3A_971 = tpu.memref_slice %arg4[%dma_wait3A_962, %mul3A_2, %dma_wait3A_970] : memref<50x4096x128xf32, #tpu.memory_space<hbm>> -> memref<1x64x128xf32, #tpu.memory_space<hbm>>
      %dma_wait3A_972 = tpu.memref_squeeze %dma_wait3A_971 : memref<1x64x128xf32, #tpu.memory_space<hbm>> -> memref<64x128xf32, #tpu.memory_space<hbm>>
      %dma_wait3A_973 = arith.constant 0 : i32
      %dma_wait3A_974 = arith.constant 0 : i32
      %dma_wait3A_975 = tpu.memref_slice %arg6[%dma_wait3A_961, %dma_wait3A_973, %dma_wait3A_974] : memref<10x64x128xf32, #tpu.memory_space<vmem>> -> memref<1x64x128xf32, #tpu.memory_space<vmem>>
      %dma_wait3A_976 = tpu.memref_squeeze %dma_wait3A_975 : memref<1x64x128xf32, #tpu.memory_space<vmem>> -> memref<64x128xf32, #tpu.memory_space<vmem>>
      tpu.wait_dma2 semaphore(%arg19 : memref<!tpu.dma_semaphore, #tpu.memory_space<semaphore_mem>>) src(%dma_wait3A_976 : memref<64x128xf32, #tpu.memory_space<vmem>>) dst(%dma_wait3A_972 : memref<64x128xf32, #tpu.memory_space<hbm>>)
      %add3A_977 = arith.constant 5 : i32
      %add3A_978 = arith.addi %mul3A_588, %add3A_977 : i32
      %add3A_979 = arith.constant 1 : i32
      %add3A_980 = arith.addi %add3A_978, %add3A_979 : i32
      %dma_start3A_981 = arith.constant 2 : i32
      %dma_start3A_982 = arith.constant 0 : i32
      %dma_start3A_983 = arith.constant 0 : i32
      %dma_start3A_984 = tpu.memref_slice %arg6[%dma_start3A_981, %dma_start3A_982, %dma_start3A_983] : memref<10x64x128xf32, #tpu.memory_space<vmem>> -> memref<1x64x128xf32, #tpu.memory_space<vmem>>
      %dma_start3A_985 = tpu.memref_squeeze %dma_start3A_984 : memref<1x64x128xf32, #tpu.memory_space<vmem>> -> memref<64x128xf32, #tpu.memory_space<vmem>>
      %dma_start3A_986 = arith.constant 0 : i32
      %dma_start3A_987 = tpu.memref_slice %arg5[%add3A_980, %dma_start3A_986] : memref<50x128xi32, #tpu.memory_space<vmem>> -> memref<1x64xi32, #tpu.memory_space<vmem>>
      %dma_start3A_988 = tpu.memref_squeeze %dma_start3A_987 : memref<1x64xi32, #tpu.memory_space<vmem>> -> memref<64xi32, #tpu.memory_space<vmem>>
      %dma_start3A_989 = arith.constant 0 : i32
      %dma_start3A_990 = arith.constant 0 : i32
      %dma_start3A_991 = tpu.memref_slice %arg3[%dma_start3A_989, %dma_start3A_990] : memref<100000x128xf32, #tpu.memory_space<hbm>> -> memref<100000x128xf32, #tpu.memory_space<hbm>>
      tpu.enqueue_indirect_dma source(%dma_start3A_991 : memref<100000x128xf32, #tpu.memory_space<hbm>>) target(%dma_start3A_985 : memref<64x128xf32, #tpu.memory_space<vmem>>) offsets(%dma_start3A_988 : memref<64xi32, #tpu.memory_space<vmem>>) semaphore(%arg9 : memref<!tpu.dma_semaphore, #tpu.memory_space<semaphore_mem>>)
      %dma_wait3A_992 = arith.constant 3 : i32
      %dma_wait3A_993 = arith.constant 0 : i32
      %dma_wait3A_994 = arith.constant 0 : i32
      %dma_wait3A_995 = arith.constant 0 : i32
      %dma_wait3A_996 = tpu.memref_slice %arg6[%dma_wait3A_992, %dma_wait3A_994, %dma_wait3A_995] : memref<10x64x128xf32, #tpu.memory_space<vmem>> -> memref<1x64x128xf32, #tpu.memory_space<vmem>>
      %dma_wait3A_997 = tpu.memref_squeeze %dma_wait3A_996 : memref<1x64x128xf32, #tpu.memory_space<vmem>> -> memref<64x128xf32, #tpu.memory_space<vmem>>
      %dma_wait3A_998 = arith.constant 0 : i32
      %dma_wait3A_999 = tpu.memref_slice %arg4[%dma_wait3A_993, %mul3A_2, %dma_wait3A_998] : memref<50x4096x128xf32, #tpu.memory_space<hbm>> -> memref<1x64x128xf32, #tpu.memory_space<hbm>>
      %dma_wait3A_1000 = tpu.memref_squeeze %dma_wait3A_999 : memref<1x64x128xf32, #tpu.memory_space<hbm>> -> memref<64x128xf32, #tpu.memory_space<hbm>>
      %dma_wait3A_1001 = arith.constant 0 : i32
      %dma_wait3A_1002 = tpu.memref_slice %arg4[%dma_wait3A_993, %mul3A_2, %dma_wait3A_1001] : memref<50x4096x128xf32, #tpu.memory_space<hbm>> -> memref<1x64x128xf32, #tpu.memory_space<hbm>>
      %dma_wait3A_1003 = tpu.memref_squeeze %dma_wait3A_1002 : memref<1x64x128xf32, #tpu.memory_space<hbm>> -> memref<64x128xf32, #tpu.memory_space<hbm>>
      %dma_wait3A_1004 = arith.constant 0 : i32
      %dma_wait3A_1005 = arith.constant 0 : i32
      %dma_wait3A_1006 = tpu.memref_slice %arg6[%dma_wait3A_992, %dma_wait3A_1004, %dma_wait3A_1005] : memref<10x64x128xf32, #tpu.memory_space<vmem>> -> memref<1x64x128xf32, #tpu.memory_space<vmem>>
      %dma_wait3A_1007 = tpu.memref_squeeze %dma_wait3A_1006 : memref<1x64x128xf32, #tpu.memory_space<vmem>> -> memref<64x128xf32, #tpu.memory_space<vmem>>
      tpu.wait_dma2 semaphore(%arg20 : memref<!tpu.dma_semaphore, #tpu.memory_space<semaphore_mem>>) src(%dma_wait3A_1007 : memref<64x128xf32, #tpu.memory_space<vmem>>) dst(%dma_wait3A_1003 : memref<64x128xf32, #tpu.memory_space<hbm>>)
      %add3A_1008 = arith.constant 5 : i32
      %add3A_1009 = arith.addi %mul3A_588, %add3A_1008 : i32
      %add3A_1010 = arith.constant 1 : i32
      %add3A_1011 = arith.addi %add3A_1009, %add3A_1010 : i32
      %dma_start3A_1012 = arith.constant 3 : i32
      %dma_start3A_1013 = arith.constant 0 : i32
      %dma_start3A_1014 = arith.constant 0 : i32
      %dma_start3A_1015 = tpu.memref_slice %arg6[%dma_start3A_1012, %dma_start3A_1013, %dma_start3A_1014] : memref<10x64x128xf32, #tpu.memory_space<vmem>> -> memref<1x64x128xf32, #tpu.memory_space<vmem>>
      %dma_start3A_1016 = tpu.memref_squeeze %dma_start3A_1015 : memref<1x64x128xf32, #tpu.memory_space<vmem>> -> memref<64x128xf32, #tpu.memory_space<vmem>>
      %dma_start3A_1017 = arith.constant 64 : i32
      %dma_start3A_1018 = tpu.memref_slice %arg5[%add3A_1011, %dma_start3A_1017] : memref<50x128xi32, #tpu.memory_space<vmem>> -> memref<1x64xi32, #tpu.memory_space<vmem>>
      %dma_start3A_1019 = tpu.memref_squeeze %dma_start3A_1018 : memref<1x64xi32, #tpu.memory_space<vmem>> -> memref<64xi32, #tpu.memory_space<vmem>>
      %dma_start3A_1020 = arith.constant 0 : i32
      %dma_start3A_1021 = arith.constant 0 : i32
      %dma_start3A_1022 = tpu.memref_slice %arg3[%dma_start3A_1020, %dma_start3A_1021] : memref<100000x128xf32, #tpu.memory_space<hbm>> -> memref<100000x128xf32, #tpu.memory_space<hbm>>
      tpu.enqueue_indirect_dma source(%dma_start3A_1022 : memref<100000x128xf32, #tpu.memory_space<hbm>>) target(%dma_start3A_1016 : memref<64x128xf32, #tpu.memory_space<vmem>>) offsets(%dma_start3A_1019 : memref<64xi32, #tpu.memory_space<vmem>>) semaphore(%arg10 : memref<!tpu.dma_semaphore, #tpu.memory_space<semaphore_mem>>)
      %dma_wait3A_1023 = arith.constant 4 : i32
      %dma_wait3A_1024 = arith.constant 0 : i32
      %dma_wait3A_1025 = arith.constant 0 : i32
      %dma_wait3A_1026 = arith.constant 0 : i32
      %dma_wait3A_1027 = tpu.memref_slice %arg6[%dma_wait3A_1023, %dma_wait3A_1025, %dma_wait3A_1026] : memref<10x64x128xf32, #tpu.memory_space<vmem>> -> memref<1x64x128xf32, #tpu.memory_space<vmem>>
      %dma_wait3A_1028 = tpu.memref_squeeze %dma_wait3A_1027 : memref<1x64x128xf32, #tpu.memory_space<vmem>> -> memref<64x128xf32, #tpu.memory_space<vmem>>
      %dma_wait3A_1029 = arith.constant 0 : i32
      %dma_wait3A_1030 = tpu.memref_slice %arg4[%dma_wait3A_1024, %mul3A_2, %dma_wait3A_1029] : memref<50x4096x128xf32, #tpu.memory_space<hbm>> -> memref<1x64x128xf32, #tpu.memory_space<hbm>>
      %dma_wait3A_1031 = tpu.memref_squeeze %dma_wait3A_1030 : memref<1x64x128xf32, #tpu.memory_space<hbm>> -> memref<64x128xf32, #tpu.memory_space<hbm>>
      %dma_wait3A_1032 = arith.constant 0 : i32
      %dma_wait3A_1033 = tpu.memref_slice %arg4[%dma_wait3A_1024, %mul3A_2, %dma_wait3A_1032] : memref<50x4096x128xf32, #tpu.memory_space<hbm>> -> memref<1x64x128xf32, #tpu.memory_space<hbm>>
      %dma_wait3A_1034 = tpu.memref_squeeze %dma_wait3A_1033 : memref<1x64x128xf32, #tpu.memory_space<hbm>> -> memref<64x128xf32, #tpu.memory_space<hbm>>
      %dma_wait3A_1035 = arith.constant 0 : i32
      %dma_wait3A_1036 = arith.constant 0 : i32
      %dma_wait3A_1037 = tpu.memref_slice %arg6[%dma_wait3A_1023, %dma_wait3A_1035, %dma_wait3A_1036] : memref<10x64x128xf32, #tpu.memory_space<vmem>> -> memref<1x64x128xf32, #tpu.memory_space<vmem>>
      %dma_wait3A_1038 = tpu.memref_squeeze %dma_wait3A_1037 : memref<1x64x128xf32, #tpu.memory_space<vmem>> -> memref<64x128xf32, #tpu.memory_space<vmem>>
      tpu.wait_dma2 semaphore(%arg21 : memref<!tpu.dma_semaphore, #tpu.memory_space<semaphore_mem>>) src(%dma_wait3A_1038 : memref<64x128xf32, #tpu.memory_space<vmem>>) dst(%dma_wait3A_1034 : memref<64x128xf32, #tpu.memory_space<hbm>>)
      %add3A_1039 = arith.constant 5 : i32
      %add3A_1040 = arith.addi %mul3A_588, %add3A_1039 : i32
      %add3A_1041 = arith.constant 2 : i32
      %add3A_1042 = arith.addi %add3A_1040, %add3A_1041 : i32
      %dma_start3A_1043 = arith.constant 4 : i32
      %dma_start3A_1044 = arith.constant 0 : i32
      %dma_start3A_1045 = arith.constant 0 : i32
      %dma_start3A_1046 = tpu.memref_slice %arg6[%dma_start3A_1043, %dma_start3A_1044, %dma_start3A_1045] : memref<10x64x128xf32, #tpu.memory_space<vmem>> -> memref<1x64x128xf32, #tpu.memory_space<vmem>>
      %dma_start3A_1047 = tpu.memref_squeeze %dma_start3A_1046 : memref<1x64x128xf32, #tpu.memory_space<vmem>> -> memref<64x128xf32, #tpu.memory_space<vmem>>
      %dma_start3A_1048 = arith.constant 0 : i32
      %dma_start3A_1049 = tpu.memref_slice %arg5[%add3A_1042, %dma_start3A_1048] : memref<50x128xi32, #tpu.memory_space<vmem>> -> memref<1x64xi32, #tpu.memory_space<vmem>>
      %dma_start3A_1050 = tpu.memref_squeeze %dma_start3A_1049 : memref<1x64xi32, #tpu.memory_space<vmem>> -> memref<64xi32, #tpu.memory_space<vmem>>
      %dma_start3A_1051 = arith.constant 0 : i32
      %dma_start3A_1052 = arith.constant 0 : i32
      %dma_start3A_1053 = tpu.memref_slice %arg3[%dma_start3A_1051, %dma_start3A_1052] : memref<100000x128xf32, #tpu.memory_space<hbm>> -> memref<100000x128xf32, #tpu.memory_space<hbm>>
      tpu.enqueue_indirect_dma source(%dma_start3A_1053 : memref<100000x128xf32, #tpu.memory_space<hbm>>) target(%dma_start3A_1047 : memref<64x128xf32, #tpu.memory_space<vmem>>) offsets(%dma_start3A_1050 : memref<64xi32, #tpu.memory_space<vmem>>) semaphore(%arg11 : memref<!tpu.dma_semaphore, #tpu.memory_space<semaphore_mem>>)
      %dma_wait3A_1054 = arith.constant 5 : i32
      %dma_wait3A_1055 = arith.constant 0 : i32
      %dma_wait3A_1056 = arith.constant 0 : i32
      %dma_wait3A_1057 = arith.constant 0 : i32
      %dma_wait3A_1058 = tpu.memref_slice %arg6[%dma_wait3A_1054, %dma_wait3A_1056, %dma_wait3A_1057] : memref<10x64x128xf32, #tpu.memory_space<vmem>> -> memref<1x64x128xf32, #tpu.memory_space<vmem>>
      %dma_wait3A_1059 = tpu.memref_squeeze %dma_wait3A_1058 : memref<1x64x128xf32, #tpu.memory_space<vmem>> -> memref<64x128xf32, #tpu.memory_space<vmem>>
      %dma_wait3A_1060 = arith.constant 0 : i32
      %dma_wait3A_1061 = tpu.memref_slice %arg4[%dma_wait3A_1055, %mul3A_2, %dma_wait3A_1060] : memref<50x4096x128xf32, #tpu.memory_space<hbm>> -> memref<1x64x128xf32, #tpu.memory_space<hbm>>
      %dma_wait3A_1062 = tpu.memref_squeeze %dma_wait3A_1061 : memref<1x64x128xf32, #tpu.memory_space<hbm>> -> memref<64x128xf32, #tpu.memory_space<hbm>>
      %dma_wait3A_1063 = arith.constant 0 : i32
      %dma_wait3A_1064 = tpu.memref_slice %arg4[%dma_wait3A_1055, %mul3A_2, %dma_wait3A_1063] : memref<50x4096x128xf32, #tpu.memory_space<hbm>> -> memref<1x64x128xf32, #tpu.memory_space<hbm>>
      %dma_wait3A_1065 = tpu.memref_squeeze %dma_wait3A_1064 : memref<1x64x128xf32, #tpu.memory_space<hbm>> -> memref<64x128xf32, #tpu.memory_space<hbm>>
      %dma_wait3A_1066 = arith.constant 0 : i32
      %dma_wait3A_1067 = arith.constant 0 : i32
      %dma_wait3A_1068 = tpu.memref_slice %arg6[%dma_wait3A_1054, %dma_wait3A_1066, %dma_wait3A_1067] : memref<10x64x128xf32, #tpu.memory_space<vmem>> -> memref<1x64x128xf32, #tpu.memory_space<vmem>>
      %dma_wait3A_1069 = tpu.memref_squeeze %dma_wait3A_1068 : memref<1x64x128xf32, #tpu.memory_space<vmem>> -> memref<64x128xf32, #tpu.memory_space<vmem>>
      tpu.wait_dma2 semaphore(%arg22 : memref<!tpu.dma_semaphore, #tpu.memory_space<semaphore_mem>>) src(%dma_wait3A_1069 : memref<64x128xf32, #tpu.memory_space<vmem>>) dst(%dma_wait3A_1065 : memref<64x128xf32, #tpu.memory_space<hbm>>)
      %add3A_1070 = arith.constant 5 : i32
      %add3A_1071 = arith.addi %mul3A_588, %add3A_1070 : i32
      %add3A_1072 = arith.constant 2 : i32
      %add3A_1073 = arith.addi %add3A_1071, %add3A_1072 : i32
      %dma_start3A_1074 = arith.constant 5 : i32
      %dma_start3A_1075 = arith.constant 0 : i32
      %dma_start3A_1076 = arith.constant 0 : i32
      %dma_start3A_1077 = tpu.memref_slice %arg6[%dma_start3A_1074, %dma_start3A_1075, %dma_start3A_1076] : memref<10x64x128xf32, #tpu.memory_space<vmem>> -> memref<1x64x128xf32, #tpu.memory_space<vmem>>
      %dma_start3A_1078 = tpu.memref_squeeze %dma_start3A_1077 : memref<1x64x128xf32, #tpu.memory_space<vmem>> -> memref<64x128xf32, #tpu.memory_space<vmem>>
      %dma_start3A_1079 = arith.constant 64 : i32
      %dma_start3A_1080 = tpu.memref_slice %arg5[%add3A_1073, %dma_start3A_1079] : memref<50x128xi32, #tpu.memory_space<vmem>> -> memref<1x64xi32, #tpu.memory_space<vmem>>
      %dma_start3A_1081 = tpu.memref_squeeze %dma_start3A_1080 : memref<1x64xi32, #tpu.memory_space<vmem>> -> memref<64xi32, #tpu.memory_space<vmem>>
      %dma_start3A_1082 = arith.constant 0 : i32
      %dma_start3A_1083 = arith.constant 0 : i32
      %dma_start3A_1084 = tpu.memref_slice %arg3[%dma_start3A_1082, %dma_start3A_1083] : memref<100000x128xf32, #tpu.memory_space<hbm>> -> memref<100000x128xf32, #tpu.memory_space<hbm>>
      tpu.enqueue_indirect_dma source(%dma_start3A_1084 : memref<100000x128xf32, #tpu.memory_space<hbm>>) target(%dma_start3A_1078 : memref<64x128xf32, #tpu.memory_space<vmem>>) offsets(%dma_start3A_1081 : memref<64xi32, #tpu.memory_space<vmem>>) semaphore(%arg12 : memref<!tpu.dma_semaphore, #tpu.memory_space<semaphore_mem>>)
      %dma_wait3A_1085 = arith.constant 6 : i32
      %dma_wait3A_1086 = arith.constant 0 : i32
      %dma_wait3A_1087 = arith.constant 0 : i32
      %dma_wait3A_1088 = arith.constant 0 : i32
      %dma_wait3A_1089 = tpu.memref_slice %arg6[%dma_wait3A_1085, %dma_wait3A_1087, %dma_wait3A_1088] : memref<10x64x128xf32, #tpu.memory_space<vmem>> -> memref<1x64x128xf32, #tpu.memory_space<vmem>>
      %dma_wait3A_1090 = tpu.memref_squeeze %dma_wait3A_1089 : memref<1x64x128xf32, #tpu.memory_space<vmem>> -> memref<64x128xf32, #tpu.memory_space<vmem>>
      %dma_wait3A_1091 = arith.constant 0 : i32
      %dma_wait3A_1092 = tpu.memref_slice %arg4[%dma_wait3A_1086, %mul3A_2, %dma_wait3A_1091] : memref<50x4096x128xf32, #tpu.memory_space<hbm>> -> memref<1x64x128xf32, #tpu.memory_space<hbm>>
      %dma_wait3A_1093 = tpu.memref_squeeze %dma_wait3A_1092 : memref<1x64x128xf32, #tpu.memory_space<hbm>> -> memref<64x128xf32, #tpu.memory_space<hbm>>
      %dma_wait3A_1094 = arith.constant 0 : i32
      %dma_wait3A_1095 = tpu.memref_slice %arg4[%dma_wait3A_1086, %mul3A_2, %dma_wait3A_1094] : memref<50x4096x128xf32, #tpu.memory_space<hbm>> -> memref<1x64x128xf32, #tpu.memory_space<hbm>>
      %dma_wait3A_1096 = tpu.memref_squeeze %dma_wait3A_1095 : memref<1x64x128xf32, #tpu.memory_space<hbm>> -> memref<64x128xf32, #tpu.memory_space<hbm>>
      %dma_wait3A_1097 = arith.constant 0 : i32
      %dma_wait3A_1098 = arith.constant 0 : i32
      %dma_wait3A_1099 = tpu.memref_slice %arg6[%dma_wait3A_1085, %dma_wait3A_1097, %dma_wait3A_1098] : memref<10x64x128xf32, #tpu.memory_space<vmem>> -> memref<1x64x128xf32, #tpu.memory_space<vmem>>
      %dma_wait3A_1100 = tpu.memref_squeeze %dma_wait3A_1099 : memref<1x64x128xf32, #tpu.memory_space<vmem>> -> memref<64x128xf32, #tpu.memory_space<vmem>>
      tpu.wait_dma2 semaphore(%arg23 : memref<!tpu.dma_semaphore, #tpu.memory_space<semaphore_mem>>) src(%dma_wait3A_1100 : memref<64x128xf32, #tpu.memory_space<vmem>>) dst(%dma_wait3A_1096 : memref<64x128xf32, #tpu.memory_space<hbm>>)
      %add3A_1101 = arith.constant 5 : i32
      %add3A_1102 = arith.addi %mul3A_588, %add3A_1101 : i32
      %add3A_1103 = arith.constant 3 : i32
      %add3A_1104 = arith.addi %add3A_1102, %add3A_1103 : i32
      %dma_start3A_1105 = arith.constant 6 : i32
      %dma_start3A_1106 = arith.constant 0 : i32
      %dma_start3A_1107 = arith.constant 0 : i32
      %dma_start3A_1108 = tpu.memref_slice %arg6[%dma_start3A_1105, %dma_start3A_1106, %dma_start3A_1107] : memref<10x64x128xf32, #tpu.memory_space<vmem>> -> memref<1x64x128xf32, #tpu.memory_space<vmem>>
      %dma_start3A_1109 = tpu.memref_squeeze %dma_start3A_1108 : memref<1x64x128xf32, #tpu.memory_space<vmem>> -> memref<64x128xf32, #tpu.memory_space<vmem>>
      %dma_start3A_1110 = arith.constant 0 : i32
      %dma_start3A_1111 = tpu.memref_slice %arg5[%add3A_1104, %dma_start3A_1110] : memref<50x128xi32, #tpu.memory_space<vmem>> -> memref<1x64xi32, #tpu.memory_space<vmem>>
      %dma_start3A_1112 = tpu.memref_squeeze %dma_start3A_1111 : memref<1x64xi32, #tpu.memory_space<vmem>> -> memref<64xi32, #tpu.memory_space<vmem>>
      %dma_start3A_1113 = arith.constant 0 : i32
      %dma_start3A_1114 = arith.constant 0 : i32
      %dma_start3A_1115 = tpu.memref_slice %arg3[%dma_start3A_1113, %dma_start3A_1114] : memref<100000x128xf32, #tpu.memory_space<hbm>> -> memref<100000x128xf32, #tpu.memory_space<hbm>>
      tpu.enqueue_indirect_dma source(%dma_start3A_1115 : memref<100000x128xf32, #tpu.memory_space<hbm>>) target(%dma_start3A_1109 : memref<64x128xf32, #tpu.memory_space<vmem>>) offsets(%dma_start3A_1112 : memref<64xi32, #tpu.memory_space<vmem>>) semaphore(%arg13 : memref<!tpu.dma_semaphore, #tpu.memory_space<semaphore_mem>>)
      %dma_wait3A_1116 = arith.constant 7 : i32
      %dma_wait3A_1117 = arith.constant 0 : i32
      %dma_wait3A_1118 = arith.constant 0 : i32
      %dma_wait3A_1119 = arith.constant 0 : i32
      %dma_wait3A_1120 = tpu.memref_slice %arg6[%dma_wait3A_1116, %dma_wait3A_1118, %dma_wait3A_1119] : memref<10x64x128xf32, #tpu.memory_space<vmem>> -> memref<1x64x128xf32, #tpu.memory_space<vmem>>
      %dma_wait3A_1121 = tpu.memref_squeeze %dma_wait3A_1120 : memref<1x64x128xf32, #tpu.memory_space<vmem>> -> memref<64x128xf32, #tpu.memory_space<vmem>>
      %dma_wait3A_1122 = arith.constant 0 : i32
      %dma_wait3A_1123 = tpu.memref_slice %arg4[%dma_wait3A_1117, %mul3A_2, %dma_wait3A_1122] : memref<50x4096x128xf32, #tpu.memory_space<hbm>> -> memref<1x64x128xf32, #tpu.memory_space<hbm>>
      %dma_wait3A_1124 = tpu.memref_squeeze %dma_wait3A_1123 : memref<1x64x128xf32, #tpu.memory_space<hbm>> -> memref<64x128xf32, #tpu.memory_space<hbm>>
      %dma_wait3A_1125 = arith.constant 0 : i32
      %dma_wait3A_1126 = tpu.memref_slice %arg4[%dma_wait3A_1117, %mul3A_2, %dma_wait3A_1125] : memref<50x4096x128xf32, #tpu.memory_space<hbm>> -> memref<1x64x128xf32, #tpu.memory_space<hbm>>
      %dma_wait3A_1127 = tpu.memref_squeeze %dma_wait3A_1126 : memref<1x64x128xf32, #tpu.memory_space<hbm>> -> memref<64x128xf32, #tpu.memory_space<hbm>>
      %dma_wait3A_1128 = arith.constant 0 : i32
      %dma_wait3A_1129 = arith.constant 0 : i32
      %dma_wait3A_1130 = tpu.memref_slice %arg6[%dma_wait3A_1116, %dma_wait3A_1128, %dma_wait3A_1129] : memref<10x64x128xf32, #tpu.memory_space<vmem>> -> memref<1x64x128xf32, #tpu.memory_space<vmem>>
      %dma_wait3A_1131 = tpu.memref_squeeze %dma_wait3A_1130 : memref<1x64x128xf32, #tpu.memory_space<vmem>> -> memref<64x128xf32, #tpu.memory_space<vmem>>
      tpu.wait_dma2 semaphore(%arg24 : memref<!tpu.dma_semaphore, #tpu.memory_space<semaphore_mem>>) src(%dma_wait3A_1131 : memref<64x128xf32, #tpu.memory_space<vmem>>) dst(%dma_wait3A_1127 : memref<64x128xf32, #tpu.memory_space<hbm>>)
      %add3A_1132 = arith.constant 5 : i32
      %add3A_1133 = arith.addi %mul3A_588, %add3A_1132 : i32
      %add3A_1134 = arith.constant 3 : i32
      %add3A_1135 = arith.addi %add3A_1133, %add3A_1134 : i32
      %dma_start3A_1136 = arith.constant 7 : i32
      %dma_start3A_1137 = arith.constant 0 : i32
      %dma_start3A_1138 = arith.constant 0 : i32
      %dma_start3A_1139 = tpu.memref_slice %arg6[%dma_start3A_1136, %dma_start3A_1137, %dma_start3A_1138] : memref<10x64x128xf32, #tpu.memory_space<vmem>> -> memref<1x64x128xf32, #tpu.memory_space<vmem>>
      %dma_start3A_1140 = tpu.memref_squeeze %dma_start3A_1139 : memref<1x64x128xf32, #tpu.memory_space<vmem>> -> memref<64x128xf32, #tpu.memory_space<vmem>>
      %dma_start3A_1141 = arith.constant 64 : i32
      %dma_start3A_1142 = tpu.memref_slice %arg5[%add3A_1135, %dma_start3A_1141] : memref<50x128xi32, #tpu.memory_space<vmem>> -> memref<1x64xi32, #tpu.memory_space<vmem>>
      %dma_start3A_1143 = tpu.memref_squeeze %dma_start3A_1142 : memref<1x64xi32, #tpu.memory_space<vmem>> -> memref<64xi32, #tpu.memory_space<vmem>>
      %dma_start3A_1144 = arith.constant 0 : i32
      %dma_start3A_1145 = arith.constant 0 : i32
      %dma_start3A_1146 = tpu.memref_slice %arg3[%dma_start3A_1144, %dma_start3A_1145] : memref<100000x128xf32, #tpu.memory_space<hbm>> -> memref<100000x128xf32, #tpu.memory_space<hbm>>
      tpu.enqueue_indirect_dma source(%dma_start3A_1146 : memref<100000x128xf32, #tpu.memory_space<hbm>>) target(%dma_start3A_1140 : memref<64x128xf32, #tpu.memory_space<vmem>>) offsets(%dma_start3A_1143 : memref<64xi32, #tpu.memory_space<vmem>>) semaphore(%arg14 : memref<!tpu.dma_semaphore, #tpu.memory_space<semaphore_mem>>)
      %dma_wait3A_1147 = arith.constant 8 : i32
      %dma_wait3A_1148 = arith.constant 0 : i32
      %dma_wait3A_1149 = arith.constant 0 : i32
      %dma_wait3A_1150 = arith.constant 0 : i32
      %dma_wait3A_1151 = tpu.memref_slice %arg6[%dma_wait3A_1147, %dma_wait3A_1149, %dma_wait3A_1150] : memref<10x64x128xf32, #tpu.memory_space<vmem>> -> memref<1x64x128xf32, #tpu.memory_space<vmem>>
      %dma_wait3A_1152 = tpu.memref_squeeze %dma_wait3A_1151 : memref<1x64x128xf32, #tpu.memory_space<vmem>> -> memref<64x128xf32, #tpu.memory_space<vmem>>
      %dma_wait3A_1153 = arith.constant 0 : i32
      %dma_wait3A_1154 = tpu.memref_slice %arg4[%dma_wait3A_1148, %mul3A_2, %dma_wait3A_1153] : memref<50x4096x128xf32, #tpu.memory_space<hbm>> -> memref<1x64x128xf32, #tpu.memory_space<hbm>>
      %dma_wait3A_1155 = tpu.memref_squeeze %dma_wait3A_1154 : memref<1x64x128xf32, #tpu.memory_space<hbm>> -> memref<64x128xf32, #tpu.memory_space<hbm>>
      %dma_wait3A_1156 = arith.constant 0 : i32
      %dma_wait3A_1157 = tpu.memref_slice %arg4[%dma_wait3A_1148, %mul3A_2, %dma_wait3A_1156] : memref<50x4096x128xf32, #tpu.memory_space<hbm>> -> memref<1x64x128xf32, #tpu.memory_space<hbm>>
      %dma_wait3A_1158 = tpu.memref_squeeze %dma_wait3A_1157 : memref<1x64x128xf32, #tpu.memory_space<hbm>> -> memref<64x128xf32, #tpu.memory_space<hbm>>
      %dma_wait3A_1159 = arith.constant 0 : i32
      %dma_wait3A_1160 = arith.constant 0 : i32
      %dma_wait3A_1161 = tpu.memref_slice %arg6[%dma_wait3A_1147, %dma_wait3A_1159, %dma_wait3A_1160] : memref<10x64x128xf32, #tpu.memory_space<vmem>> -> memref<1x64x128xf32, #tpu.memory_space<vmem>>
      %dma_wait3A_1162 = tpu.memref_squeeze %dma_wait3A_1161 : memref<1x64x128xf32, #tpu.memory_space<vmem>> -> memref<64x128xf32, #tpu.memory_space<vmem>>
      tpu.wait_dma2 semaphore(%arg25 : memref<!tpu.dma_semaphore, #tpu.memory_space<semaphore_mem>>) src(%dma_wait3A_1162 : memref<64x128xf32, #tpu.memory_space<vmem>>) dst(%dma_wait3A_1158 : memref<64x128xf32, #tpu.memory_space<hbm>>)
      %add3A_1163 = arith.constant 5 : i32
      %add3A_1164 = arith.addi %mul3A_588, %add3A_1163 : i32
      %add3A_1165 = arith.constant 4 : i32
      %add3A_1166 = arith.addi %add3A_1164, %add3A_1165 : i32
      %dma_start3A_1167 = arith.constant 8 : i32
      %dma_start3A_1168 = arith.constant 0 : i32
      %dma_start3A_1169 = arith.constant 0 : i32
      %dma_start3A_1170 = tpu.memref_slice %arg6[%dma_start3A_1167, %dma_start3A_1168, %dma_start3A_1169] : memref<10x64x128xf32, #tpu.memory_space<vmem>> -> memref<1x64x128xf32, #tpu.memory_space<vmem>>
      %dma_start3A_1171 = tpu.memref_squeeze %dma_start3A_1170 : memref<1x64x128xf32, #tpu.memory_space<vmem>> -> memref<64x128xf32, #tpu.memory_space<vmem>>
      %dma_start3A_1172 = arith.constant 0 : i32
      %dma_start3A_1173 = tpu.memref_slice %arg5[%add3A_1166, %dma_start3A_1172] : memref<50x128xi32, #tpu.memory_space<vmem>> -> memref<1x64xi32, #tpu.memory_space<vmem>>
      %dma_start3A_1174 = tpu.memref_squeeze %dma_start3A_1173 : memref<1x64xi32, #tpu.memory_space<vmem>> -> memref<64xi32, #tpu.memory_space<vmem>>
      %dma_start3A_1175 = arith.constant 0 : i32
      %dma_start3A_1176 = arith.constant 0 : i32
      %dma_start3A_1177 = tpu.memref_slice %arg3[%dma_start3A_1175, %dma_start3A_1176] : memref<100000x128xf32, #tpu.memory_space<hbm>> -> memref<100000x128xf32, #tpu.memory_space<hbm>>
      tpu.enqueue_indirect_dma source(%dma_start3A_1177 : memref<100000x128xf32, #tpu.memory_space<hbm>>) target(%dma_start3A_1171 : memref<64x128xf32, #tpu.memory_space<vmem>>) offsets(%dma_start3A_1174 : memref<64xi32, #tpu.memory_space<vmem>>) semaphore(%arg15 : memref<!tpu.dma_semaphore, #tpu.memory_space<semaphore_mem>>)
      %dma_wait3A_1178 = arith.constant 9 : i32
      %dma_wait3A_1179 = arith.constant 0 : i32
      %dma_wait3A_1180 = arith.constant 0 : i32
      %dma_wait3A_1181 = arith.constant 0 : i32
      %dma_wait3A_1182 = tpu.memref_slice %arg6[%dma_wait3A_1178, %dma_wait3A_1180, %dma_wait3A_1181] : memref<10x64x128xf32, #tpu.memory_space<vmem>> -> memref<1x64x128xf32, #tpu.memory_space<vmem>>
      %dma_wait3A_1183 = tpu.memref_squeeze %dma_wait3A_1182 : memref<1x64x128xf32, #tpu.memory_space<vmem>> -> memref<64x128xf32, #tpu.memory_space<vmem>>
      %dma_wait3A_1184 = arith.constant 0 : i32
      %dma_wait3A_1185 = tpu.memref_slice %arg4[%dma_wait3A_1179, %mul3A_2, %dma_wait3A_1184] : memref<50x4096x128xf32, #tpu.memory_space<hbm>> -> memref<1x64x128xf32, #tpu.memory_space<hbm>>
      %dma_wait3A_1186 = tpu.memref_squeeze %dma_wait3A_1185 : memref<1x64x128xf32, #tpu.memory_space<hbm>> -> memref<64x128xf32, #tpu.memory_space<hbm>>
      %dma_wait3A_1187 = arith.constant 0 : i32
      %dma_wait3A_1188 = tpu.memref_slice %arg4[%dma_wait3A_1179, %mul3A_2, %dma_wait3A_1187] : memref<50x4096x128xf32, #tpu.memory_space<hbm>> -> memref<1x64x128xf32, #tpu.memory_space<hbm>>
      %dma_wait3A_1189 = tpu.memref_squeeze %dma_wait3A_1188 : memref<1x64x128xf32, #tpu.memory_space<hbm>> -> memref<64x128xf32, #tpu.memory_space<hbm>>
      %dma_wait3A_1190 = arith.constant 0 : i32
      %dma_wait3A_1191 = arith.constant 0 : i32
      %dma_wait3A_1192 = tpu.memref_slice %arg6[%dma_wait3A_1178, %dma_wait3A_1190, %dma_wait3A_1191] : memref<10x64x128xf32, #tpu.memory_space<vmem>> -> memref<1x64x128xf32, #tpu.memory_space<vmem>>
      %dma_wait3A_1193 = tpu.memref_squeeze %dma_wait3A_1192 : memref<1x64x128xf32, #tpu.memory_space<vmem>> -> memref<64x128xf32, #tpu.memory_space<vmem>>
      tpu.wait_dma2 semaphore(%arg26 : memref<!tpu.dma_semaphore, #tpu.memory_space<semaphore_mem>>) src(%dma_wait3A_1193 : memref<64x128xf32, #tpu.memory_space<vmem>>) dst(%dma_wait3A_1189 : memref<64x128xf32, #tpu.memory_space<hbm>>)
      %add3A_1194 = arith.constant 5 : i32
      %add3A_1195 = arith.addi %mul3A_588, %add3A_1194 : i32
      %add3A_1196 = arith.constant 4 : i32
      %add3A_1197 = arith.addi %add3A_1195, %add3A_1196 : i32
      %dma_start3A_1198 = arith.constant 9 : i32
      %dma_start3A_1199 = arith.constant 0 : i32
      %dma_start3A_1200 = arith.constant 0 : i32
      %dma_start3A_1201 = tpu.memref_slice %arg6[%dma_start3A_1198, %dma_start3A_1199, %dma_start3A_1200] : memref<10x64x128xf32, #tpu.memory_space<vmem>> -> memref<1x64x128xf32, #tpu.memory_space<vmem>>
      %dma_start3A_1202 = tpu.memref_squeeze %dma_start3A_1201 : memref<1x64x128xf32, #tpu.memory_space<vmem>> -> memref<64x128xf32, #tpu.memory_space<vmem>>
      %dma_start3A_1203 = arith.constant 64 : i32
      %dma_start3A_1204 = tpu.memref_slice %arg5[%add3A_1197, %dma_start3A_1203] : memref<50x128xi32, #tpu.memory_space<vmem>> -> memref<1x64xi32, #tpu.memory_space<vmem>>
      %dma_start3A_1205 = tpu.memref_squeeze %dma_start3A_1204 : memref<1x64xi32, #tpu.memory_space<vmem>> -> memref<64xi32, #tpu.memory_space<vmem>>
      %dma_start3A_1206 = arith.constant 0 : i32
      %dma_start3A_1207 = arith.constant 0 : i32
      %dma_start3A_1208 = tpu.memref_slice %arg3[%dma_start3A_1206, %dma_start3A_1207] : memref<100000x128xf32, #tpu.memory_space<hbm>> -> memref<100000x128xf32, #tpu.memory_space<hbm>>
      tpu.enqueue_indirect_dma source(%dma_start3A_1208 : memref<100000x128xf32, #tpu.memory_space<hbm>>) target(%dma_start3A_1202 : memref<64x128xf32, #tpu.memory_space<vmem>>) offsets(%dma_start3A_1205 : memref<64xi32, #tpu.memory_space<vmem>>) semaphore(%arg16 : memref<!tpu.dma_semaphore, #tpu.memory_space<semaphore_mem>>)
    }
    %scan3A_126 = arith.constant 9 : i32
    %dma_wait3A = arith.constant 0 : i32
    %dma_wait3A_127 = arith.constant 0 : i32
    %dma_wait3A_128 = arith.constant 0 : i32
    %dma_wait3A_129 = arith.constant 0 : i32
    %dma_wait3A_130 = tpu.memref_slice %arg6[%dma_wait3A_127, %dma_wait3A_128, %dma_wait3A_129] : memref<10x64x128xf32, #tpu.memory_space<vmem>> -> memref<1x64x128xf32, #tpu.memory_space<vmem>>
    %dma_wait3A_131 = tpu.memref_squeeze %dma_wait3A_130 : memref<1x64x128xf32, #tpu.memory_space<vmem>> -> memref<64x128xf32, #tpu.memory_space<vmem>>
    %dma_wait3A_132 = arith.constant 0 : i32
    %dma_wait3A_133 = tpu.memref_slice %arg5[%dma_wait3A, %dma_wait3A_132] : memref<50x128xi32, #tpu.memory_space<vmem>> -> memref<1x64xi32, #tpu.memory_space<vmem>>
    %dma_wait3A_134 = tpu.memref_squeeze %dma_wait3A_133 : memref<1x64xi32, #tpu.memory_space<vmem>> -> memref<64xi32, #tpu.memory_space<vmem>>
    %dma_wait3A_135 = arith.constant 0 : i32
    %dma_wait3A_136 = arith.constant 0 : i32
    %dma_wait3A_137 = tpu.memref_slice %arg3[%dma_wait3A_135, %dma_wait3A_136] : memref<100000x128xf32, #tpu.memory_space<hbm>> -> memref<100000x128xf32, #tpu.memory_space<hbm>>
    tpu.wait_indirect_dma semaphore(%arg7 : memref<!tpu.dma_semaphore, #tpu.memory_space<semaphore_mem>>) src(%dma_wait3A_137 : memref<100000x128xf32, #tpu.memory_space<hbm>>) dst(%dma_wait3A_131 : memref<64x128xf32, #tpu.memory_space<vmem>>)
    %add3A_138 = arith.constant 0 : i32
    %add3A_139 = arith.addi %mul3A_2, %add3A_138 : i32
    %dma_start3A_140 = arith.constant 0 : i32
    %dma_start3A_141 = arith.constant 45 : i32
    %dma_start3A_142 = arith.constant 0 : i32
    %dma_start3A_143 = arith.constant 0 : i32
    %dma_start3A_144 = tpu.memref_slice %arg6[%dma_start3A_140, %dma_start3A_142, %dma_start3A_143] : memref<10x64x128xf32, #tpu.memory_space<vmem>> -> memref<1x64x128xf32, #tpu.memory_space<vmem>>
    %dma_start3A_145 = tpu.memref_squeeze %dma_start3A_144 : memref<1x64x128xf32, #tpu.memory_space<vmem>> -> memref<64x128xf32, #tpu.memory_space<vmem>>
    %dma_start3A_146 = arith.constant 0 : i32
    %dma_start3A_147 = tpu.memref_slice %arg4[%dma_start3A_141, %add3A_139, %dma_start3A_146] : memref<50x4096x128xf32, #tpu.memory_space<hbm>> -> memref<1x64x128xf32, #tpu.memory_space<hbm>>
    %dma_start3A_148 = tpu.memref_squeeze %dma_start3A_147 : memref<1x64x128xf32, #tpu.memory_space<hbm>> -> memref<64x128xf32, #tpu.memory_space<hbm>>
    %dma_start3A_149 = arith.constant 0 : i32
    %dma_start3A_150 = tpu.memref_slice %arg4[%dma_start3A_141, %add3A_139, %dma_start3A_149] : memref<50x4096x128xf32, #tpu.memory_space<hbm>> -> memref<1x64x128xf32, #tpu.memory_space<hbm>>
    %dma_start3A_151 = tpu.memref_squeeze %dma_start3A_150 : memref<1x64x128xf32, #tpu.memory_space<hbm>> -> memref<64x128xf32, #tpu.memory_space<hbm>>
    %dma_start3A_152 = arith.constant 0 : i32
    %dma_start3A_153 = arith.constant 0 : i32
    %dma_start3A_154 = tpu.memref_slice %arg6[%dma_start3A_140, %dma_start3A_152, %dma_start3A_153] : memref<10x64x128xf32, #tpu.memory_space<vmem>> -> memref<1x64x128xf32, #tpu.memory_space<vmem>>
    %dma_start3A_155 = tpu.memref_squeeze %dma_start3A_154 : memref<1x64x128xf32, #tpu.memory_space<vmem>> -> memref<64x128xf32, #tpu.memory_space<vmem>>
    tpu.enqueue_dma source(%dma_start3A_155 : memref<64x128xf32, #tpu.memory_space<vmem>>) target(%dma_start3A_151 : memref<64x128xf32, #tpu.memory_space<hbm>>) target_semaphore(%arg17 : memref<!tpu.dma_semaphore, #tpu.memory_space<semaphore_mem>>)
    %dma_wait3A_156 = arith.constant 0 : i32
    %dma_wait3A_157 = arith.constant 1 : i32
    %dma_wait3A_158 = arith.constant 0 : i32
    %dma_wait3A_159 = arith.constant 0 : i32
    %dma_wait3A_160 = tpu.memref_slice %arg6[%dma_wait3A_157, %dma_wait3A_158, %dma_wait3A_159] : memref<10x64x128xf32, #tpu.memory_space<vmem>> -> memref<1x64x128xf32, #tpu.memory_space<vmem>>
    %dma_wait3A_161 = tpu.memref_squeeze %dma_wait3A_160 : memref<1x64x128xf32, #tpu.memory_space<vmem>> -> memref<64x128xf32, #tpu.memory_space<vmem>>
    %dma_wait3A_162 = arith.constant 0 : i32
    %dma_wait3A_163 = tpu.memref_slice %arg5[%dma_wait3A_156, %dma_wait3A_162] : memref<50x128xi32, #tpu.memory_space<vmem>> -> memref<1x64xi32, #tpu.memory_space<vmem>>
    %dma_wait3A_164 = tpu.memref_squeeze %dma_wait3A_163 : memref<1x64xi32, #tpu.memory_space<vmem>> -> memref<64xi32, #tpu.memory_space<vmem>>
    %dma_wait3A_165 = arith.constant 0 : i32
    %dma_wait3A_166 = arith.constant 0 : i32
    %dma_wait3A_167 = tpu.memref_slice %arg3[%dma_wait3A_165, %dma_wait3A_166] : memref<100000x128xf32, #tpu.memory_space<hbm>> -> memref<100000x128xf32, #tpu.memory_space<hbm>>
    tpu.wait_indirect_dma semaphore(%arg8 : memref<!tpu.dma_semaphore, #tpu.memory_space<semaphore_mem>>) src(%dma_wait3A_167 : memref<100000x128xf32, #tpu.memory_space<hbm>>) dst(%dma_wait3A_161 : memref<64x128xf32, #tpu.memory_space<vmem>>)
    %add3A_168 = arith.constant 64 : i32
    %add3A_169 = arith.addi %mul3A_2, %add3A_168 : i32
    %dma_start3A_170 = arith.constant 1 : i32
    %dma_start3A_171 = arith.constant 45 : i32
    %dma_start3A_172 = arith.constant 0 : i32
    %dma_start3A_173 = arith.constant 0 : i32
    %dma_start3A_174 = tpu.memref_slice %arg6[%dma_start3A_170, %dma_start3A_172, %dma_start3A_173] : memref<10x64x128xf32, #tpu.memory_space<vmem>> -> memref<1x64x128xf32, #tpu.memory_space<vmem>>
    %dma_start3A_175 = tpu.memref_squeeze %dma_start3A_174 : memref<1x64x128xf32, #tpu.memory_space<vmem>> -> memref<64x128xf32, #tpu.memory_space<vmem>>
    %dma_start3A_176 = arith.constant 0 : i32
    %dma_start3A_177 = tpu.memref_slice %arg4[%dma_start3A_171, %add3A_169, %dma_start3A_176] : memref<50x4096x128xf32, #tpu.memory_space<hbm>> -> memref<1x64x128xf32, #tpu.memory_space<hbm>>
    %dma_start3A_178 = tpu.memref_squeeze %dma_start3A_177 : memref<1x64x128xf32, #tpu.memory_space<hbm>> -> memref<64x128xf32, #tpu.memory_space<hbm>>
    %dma_start3A_179 = arith.constant 0 : i32
    %dma_start3A_180 = tpu.memref_slice %arg4[%dma_start3A_171, %add3A_169, %dma_start3A_179] : memref<50x4096x128xf32, #tpu.memory_space<hbm>> -> memref<1x64x128xf32, #tpu.memory_space<hbm>>
    %dma_start3A_181 = tpu.memref_squeeze %dma_start3A_180 : memref<1x64x128xf32, #tpu.memory_space<hbm>> -> memref<64x128xf32, #tpu.memory_space<hbm>>
    %dma_start3A_182 = arith.constant 0 : i32
    %dma_start3A_183 = arith.constant 0 : i32
    %dma_start3A_184 = tpu.memref_slice %arg6[%dma_start3A_170, %dma_start3A_182, %dma_start3A_183] : memref<10x64x128xf32, #tpu.memory_space<vmem>> -> memref<1x64x128xf32, #tpu.memory_space<vmem>>
    %dma_start3A_185 = tpu.memref_squeeze %dma_start3A_184 : memref<1x64x128xf32, #tpu.memory_space<vmem>> -> memref<64x128xf32, #tpu.memory_space<vmem>>
    tpu.enqueue_dma source(%dma_start3A_185 : memref<64x128xf32, #tpu.memory_space<vmem>>) target(%dma_start3A_181 : memref<64x128xf32, #tpu.memory_space<hbm>>) target_semaphore(%arg18 : memref<!tpu.dma_semaphore, #tpu.memory_space<semaphore_mem>>)
    %dma_wait3A_186 = arith.constant 0 : i32
    %dma_wait3A_187 = arith.constant 2 : i32
    %dma_wait3A_188 = arith.constant 0 : i32
    %dma_wait3A_189 = arith.constant 0 : i32
    %dma_wait3A_190 = tpu.memref_slice %arg6[%dma_wait3A_187, %dma_wait3A_188, %dma_wait3A_189] : memref<10x64x128xf32, #tpu.memory_space<vmem>> -> memref<1x64x128xf32, #tpu.memory_space<vmem>>
    %dma_wait3A_191 = tpu.memref_squeeze %dma_wait3A_190 : memref<1x64x128xf32, #tpu.memory_space<vmem>> -> memref<64x128xf32, #tpu.memory_space<vmem>>
    %dma_wait3A_192 = arith.constant 0 : i32
    %dma_wait3A_193 = tpu.memref_slice %arg5[%dma_wait3A_186, %dma_wait3A_192] : memref<50x128xi32, #tpu.memory_space<vmem>> -> memref<1x64xi32, #tpu.memory_space<vmem>>
    %dma_wait3A_194 = tpu.memref_squeeze %dma_wait3A_193 : memref<1x64xi32, #tpu.memory_space<vmem>> -> memref<64xi32, #tpu.memory_space<vmem>>
    %dma_wait3A_195 = arith.constant 0 : i32
    %dma_wait3A_196 = arith.constant 0 : i32
    %dma_wait3A_197 = tpu.memref_slice %arg3[%dma_wait3A_195, %dma_wait3A_196] : memref<100000x128xf32, #tpu.memory_space<hbm>> -> memref<100000x128xf32, #tpu.memory_space<hbm>>
    tpu.wait_indirect_dma semaphore(%arg9 : memref<!tpu.dma_semaphore, #tpu.memory_space<semaphore_mem>>) src(%dma_wait3A_197 : memref<100000x128xf32, #tpu.memory_space<hbm>>) dst(%dma_wait3A_191 : memref<64x128xf32, #tpu.memory_space<vmem>>)
    %add3A_198 = arith.constant 0 : i32
    %add3A_199 = arith.addi %mul3A_2, %add3A_198 : i32
    %dma_start3A_200 = arith.constant 2 : i32
    %dma_start3A_201 = arith.constant 46 : i32
    %dma_start3A_202 = arith.constant 0 : i32
    %dma_start3A_203 = arith.constant 0 : i32
    %dma_start3A_204 = tpu.memref_slice %arg6[%dma_start3A_200, %dma_start3A_202, %dma_start3A_203] : memref<10x64x128xf32, #tpu.memory_space<vmem>> -> memref<1x64x128xf32, #tpu.memory_space<vmem>>
    %dma_start3A_205 = tpu.memref_squeeze %dma_start3A_204 : memref<1x64x128xf32, #tpu.memory_space<vmem>> -> memref<64x128xf32, #tpu.memory_space<vmem>>
    %dma_start3A_206 = arith.constant 0 : i32
    %dma_start3A_207 = tpu.memref_slice %arg4[%dma_start3A_201, %add3A_199, %dma_start3A_206] : memref<50x4096x128xf32, #tpu.memory_space<hbm>> -> memref<1x64x128xf32, #tpu.memory_space<hbm>>
    %dma_start3A_208 = tpu.memref_squeeze %dma_start3A_207 : memref<1x64x128xf32, #tpu.memory_space<hbm>> -> memref<64x128xf32, #tpu.memory_space<hbm>>
    %dma_start3A_209 = arith.constant 0 : i32
    %dma_start3A_210 = tpu.memref_slice %arg4[%dma_start3A_201, %add3A_199, %dma_start3A_209] : memref<50x4096x128xf32, #tpu.memory_space<hbm>> -> memref<1x64x128xf32, #tpu.memory_space<hbm>>
    %dma_start3A_211 = tpu.memref_squeeze %dma_start3A_210 : memref<1x64x128xf32, #tpu.memory_space<hbm>> -> memref<64x128xf32, #tpu.memory_space<hbm>>
    %dma_start3A_212 = arith.constant 0 : i32
    %dma_start3A_213 = arith.constant 0 : i32
    %dma_start3A_214 = tpu.memref_slice %arg6[%dma_start3A_200, %dma_start3A_212, %dma_start3A_213] : memref<10x64x128xf32, #tpu.memory_space<vmem>> -> memref<1x64x128xf32, #tpu.memory_space<vmem>>
    %dma_start3A_215 = tpu.memref_squeeze %dma_start3A_214 : memref<1x64x128xf32, #tpu.memory_space<vmem>> -> memref<64x128xf32, #tpu.memory_space<vmem>>
    tpu.enqueue_dma source(%dma_start3A_215 : memref<64x128xf32, #tpu.memory_space<vmem>>) target(%dma_start3A_211 : memref<64x128xf32, #tpu.memory_space<hbm>>) target_semaphore(%arg19 : memref<!tpu.dma_semaphore, #tpu.memory_space<semaphore_mem>>)
    %dma_wait3A_216 = arith.constant 0 : i32
    %dma_wait3A_217 = arith.constant 3 : i32
    %dma_wait3A_218 = arith.constant 0 : i32
    %dma_wait3A_219 = arith.constant 0 : i32
    %dma_wait3A_220 = tpu.memref_slice %arg6[%dma_wait3A_217, %dma_wait3A_218, %dma_wait3A_219] : memref<10x64x128xf32, #tpu.memory_space<vmem>> -> memref<1x64x128xf32, #tpu.memory_space<vmem>>
    %dma_wait3A_221 = tpu.memref_squeeze %dma_wait3A_220 : memref<1x64x128xf32, #tpu.memory_space<vmem>> -> memref<64x128xf32, #tpu.memory_space<vmem>>
    %dma_wait3A_222 = arith.constant 0 : i32
    %dma_wait3A_223 = tpu.memref_slice %arg5[%dma_wait3A_216, %dma_wait3A_222] : memref<50x128xi32, #tpu.memory_space<vmem>> -> memref<1x64xi32, #tpu.memory_space<vmem>>
    %dma_wait3A_224 = tpu.memref_squeeze %dma_wait3A_223 : memref<1x64xi32, #tpu.memory_space<vmem>> -> memref<64xi32, #tpu.memory_space<vmem>>
    %dma_wait3A_225 = arith.constant 0 : i32
    %dma_wait3A_226 = arith.constant 0 : i32
    %dma_wait3A_227 = tpu.memref_slice %arg3[%dma_wait3A_225, %dma_wait3A_226] : memref<100000x128xf32, #tpu.memory_space<hbm>> -> memref<100000x128xf32, #tpu.memory_space<hbm>>
    tpu.wait_indirect_dma semaphore(%arg10 : memref<!tpu.dma_semaphore, #tpu.memory_space<semaphore_mem>>) src(%dma_wait3A_227 : memref<100000x128xf32, #tpu.memory_space<hbm>>) dst(%dma_wait3A_221 : memref<64x128xf32, #tpu.memory_space<vmem>>)
    %add3A_228 = arith.constant 64 : i32
    %add3A_229 = arith.addi %mul3A_2, %add3A_228 : i32
    %dma_start3A_230 = arith.constant 3 : i32
    %dma_start3A_231 = arith.constant 46 : i32
    %dma_start3A_232 = arith.constant 0 : i32
    %dma_start3A_233 = arith.constant 0 : i32
    %dma_start3A_234 = tpu.memref_slice %arg6[%dma_start3A_230, %dma_start3A_232, %dma_start3A_233] : memref<10x64x128xf32, #tpu.memory_space<vmem>> -> memref<1x64x128xf32, #tpu.memory_space<vmem>>
    %dma_start3A_235 = tpu.memref_squeeze %dma_start3A_234 : memref<1x64x128xf32, #tpu.memory_space<vmem>> -> memref<64x128xf32, #tpu.memory_space<vmem>>
    %dma_start3A_236 = arith.constant 0 : i32
    %dma_start3A_237 = tpu.memref_slice %arg4[%dma_start3A_231, %add3A_229, %dma_start3A_236] : memref<50x4096x128xf32, #tpu.memory_space<hbm>> -> memref<1x64x128xf32, #tpu.memory_space<hbm>>
    %dma_start3A_238 = tpu.memref_squeeze %dma_start3A_237 : memref<1x64x128xf32, #tpu.memory_space<hbm>> -> memref<64x128xf32, #tpu.memory_space<hbm>>
    %dma_start3A_239 = arith.constant 0 : i32
    %dma_start3A_240 = tpu.memref_slice %arg4[%dma_start3A_231, %add3A_229, %dma_start3A_239] : memref<50x4096x128xf32, #tpu.memory_space<hbm>> -> memref<1x64x128xf32, #tpu.memory_space<hbm>>
    %dma_start3A_241 = tpu.memref_squeeze %dma_start3A_240 : memref<1x64x128xf32, #tpu.memory_space<hbm>> -> memref<64x128xf32, #tpu.memory_space<hbm>>
    %dma_start3A_242 = arith.constant 0 : i32
    %dma_start3A_243 = arith.constant 0 : i32
    %dma_start3A_244 = tpu.memref_slice %arg6[%dma_start3A_230, %dma_start3A_242, %dma_start3A_243] : memref<10x64x128xf32, #tpu.memory_space<vmem>> -> memref<1x64x128xf32, #tpu.memory_space<vmem>>
    %dma_start3A_245 = tpu.memref_squeeze %dma_start3A_244 : memref<1x64x128xf32, #tpu.memory_space<vmem>> -> memref<64x128xf32, #tpu.memory_space<vmem>>
    tpu.enqueue_dma source(%dma_start3A_245 : memref<64x128xf32, #tpu.memory_space<vmem>>) target(%dma_start3A_241 : memref<64x128xf32, #tpu.memory_space<hbm>>) target_semaphore(%arg20 : memref<!tpu.dma_semaphore, #tpu.memory_space<semaphore_mem>>)
    %dma_wait3A_246 = arith.constant 0 : i32
    %dma_wait3A_247 = arith.constant 4 : i32
    %dma_wait3A_248 = arith.constant 0 : i32
    %dma_wait3A_249 = arith.constant 0 : i32
    %dma_wait3A_250 = tpu.memref_slice %arg6[%dma_wait3A_247, %dma_wait3A_248, %dma_wait3A_249] : memref<10x64x128xf32, #tpu.memory_space<vmem>> -> memref<1x64x128xf32, #tpu.memory_space<vmem>>
    %dma_wait3A_251 = tpu.memref_squeeze %dma_wait3A_250 : memref<1x64x128xf32, #tpu.memory_space<vmem>> -> memref<64x128xf32, #tpu.memory_space<vmem>>
    %dma_wait3A_252 = arith.constant 0 : i32
    %dma_wait3A_253 = tpu.memref_slice %arg5[%dma_wait3A_246, %dma_wait3A_252] : memref<50x128xi32, #tpu.memory_space<vmem>> -> memref<1x64xi32, #tpu.memory_space<vmem>>
    %dma_wait3A_254 = tpu.memref_squeeze %dma_wait3A_253 : memref<1x64xi32, #tpu.memory_space<vmem>> -> memref<64xi32, #tpu.memory_space<vmem>>
    %dma_wait3A_255 = arith.constant 0 : i32
    %dma_wait3A_256 = arith.constant 0 : i32
    %dma_wait3A_257 = tpu.memref_slice %arg3[%dma_wait3A_255, %dma_wait3A_256] : memref<100000x128xf32, #tpu.memory_space<hbm>> -> memref<100000x128xf32, #tpu.memory_space<hbm>>
    tpu.wait_indirect_dma semaphore(%arg11 : memref<!tpu.dma_semaphore, #tpu.memory_space<semaphore_mem>>) src(%dma_wait3A_257 : memref<100000x128xf32, #tpu.memory_space<hbm>>) dst(%dma_wait3A_251 : memref<64x128xf32, #tpu.memory_space<vmem>>)
    %add3A_258 = arith.constant 0 : i32
    %add3A_259 = arith.addi %mul3A_2, %add3A_258 : i32
    %dma_start3A_260 = arith.constant 4 : i32
    %dma_start3A_261 = arith.constant 47 : i32
    %dma_start3A_262 = arith.constant 0 : i32
    %dma_start3A_263 = arith.constant 0 : i32
    %dma_start3A_264 = tpu.memref_slice %arg6[%dma_start3A_260, %dma_start3A_262, %dma_start3A_263] : memref<10x64x128xf32, #tpu.memory_space<vmem>> -> memref<1x64x128xf32, #tpu.memory_space<vmem>>
    %dma_start3A_265 = tpu.memref_squeeze %dma_start3A_264 : memref<1x64x128xf32, #tpu.memory_space<vmem>> -> memref<64x128xf32, #tpu.memory_space<vmem>>
    %dma_start3A_266 = arith.constant 0 : i32
    %dma_start3A_267 = tpu.memref_slice %arg4[%dma_start3A_261, %add3A_259, %dma_start3A_266] : memref<50x4096x128xf32, #tpu.memory_space<hbm>> -> memref<1x64x128xf32, #tpu.memory_space<hbm>>
    %dma_start3A_268 = tpu.memref_squeeze %dma_start3A_267 : memref<1x64x128xf32, #tpu.memory_space<hbm>> -> memref<64x128xf32, #tpu.memory_space<hbm>>
    %dma_start3A_269 = arith.constant 0 : i32
    %dma_start3A_270 = tpu.memref_slice %arg4[%dma_start3A_261, %add3A_259, %dma_start3A_269] : memref<50x4096x128xf32, #tpu.memory_space<hbm>> -> memref<1x64x128xf32, #tpu.memory_space<hbm>>
    %dma_start3A_271 = tpu.memref_squeeze %dma_start3A_270 : memref<1x64x128xf32, #tpu.memory_space<hbm>> -> memref<64x128xf32, #tpu.memory_space<hbm>>
    %dma_start3A_272 = arith.constant 0 : i32
    %dma_start3A_273 = arith.constant 0 : i32
    %dma_start3A_274 = tpu.memref_slice %arg6[%dma_start3A_260, %dma_start3A_272, %dma_start3A_273] : memref<10x64x128xf32, #tpu.memory_space<vmem>> -> memref<1x64x128xf32, #tpu.memory_space<vmem>>
    %dma_start3A_275 = tpu.memref_squeeze %dma_start3A_274 : memref<1x64x128xf32, #tpu.memory_space<vmem>> -> memref<64x128xf32, #tpu.memory_space<vmem>>
    tpu.enqueue_dma source(%dma_start3A_275 : memref<64x128xf32, #tpu.memory_space<vmem>>) target(%dma_start3A_271 : memref<64x128xf32, #tpu.memory_space<hbm>>) target_semaphore(%arg21 : memref<!tpu.dma_semaphore, #tpu.memory_space<semaphore_mem>>)
    %dma_wait3A_276 = arith.constant 0 : i32
    %dma_wait3A_277 = arith.constant 5 : i32
    %dma_wait3A_278 = arith.constant 0 : i32
    %dma_wait3A_279 = arith.constant 0 : i32
    %dma_wait3A_280 = tpu.memref_slice %arg6[%dma_wait3A_277, %dma_wait3A_278, %dma_wait3A_279] : memref<10x64x128xf32, #tpu.memory_space<vmem>> -> memref<1x64x128xf32, #tpu.memory_space<vmem>>
    %dma_wait3A_281 = tpu.memref_squeeze %dma_wait3A_280 : memref<1x64x128xf32, #tpu.memory_space<vmem>> -> memref<64x128xf32, #tpu.memory_space<vmem>>
    %dma_wait3A_282 = arith.constant 0 : i32
    %dma_wait3A_283 = tpu.memref_slice %arg5[%dma_wait3A_276, %dma_wait3A_282] : memref<50x128xi32, #tpu.memory_space<vmem>> -> memref<1x64xi32, #tpu.memory_space<vmem>>
    %dma_wait3A_284 = tpu.memref_squeeze %dma_wait3A_283 : memref<1x64xi32, #tpu.memory_space<vmem>> -> memref<64xi32, #tpu.memory_space<vmem>>
    %dma_wait3A_285 = arith.constant 0 : i32
    %dma_wait3A_286 = arith.constant 0 : i32
    %dma_wait3A_287 = tpu.memref_slice %arg3[%dma_wait3A_285, %dma_wait3A_286] : memref<100000x128xf32, #tpu.memory_space<hbm>> -> memref<100000x128xf32, #tpu.memory_space<hbm>>
    tpu.wait_indirect_dma semaphore(%arg12 : memref<!tpu.dma_semaphore, #tpu.memory_space<semaphore_mem>>) src(%dma_wait3A_287 : memref<100000x128xf32, #tpu.memory_space<hbm>>) dst(%dma_wait3A_281 : memref<64x128xf32, #tpu.memory_space<vmem>>)
    %add3A_288 = arith.constant 64 : i32
    %add3A_289 = arith.addi %mul3A_2, %add3A_288 : i32
    %dma_start3A_290 = arith.constant 5 : i32
    %dma_start3A_291 = arith.constant 47 : i32
    %dma_start3A_292 = arith.constant 0 : i32
    %dma_start3A_293 = arith.constant 0 : i32
    %dma_start3A_294 = tpu.memref_slice %arg6[%dma_start3A_290, %dma_start3A_292, %dma_start3A_293] : memref<10x64x128xf32, #tpu.memory_space<vmem>> -> memref<1x64x128xf32, #tpu.memory_space<vmem>>
    %dma_start3A_295 = tpu.memref_squeeze %dma_start3A_294 : memref<1x64x128xf32, #tpu.memory_space<vmem>> -> memref<64x128xf32, #tpu.memory_space<vmem>>
    %dma_start3A_296 = arith.constant 0 : i32
    %dma_start3A_297 = tpu.memref_slice %arg4[%dma_start3A_291, %add3A_289, %dma_start3A_296] : memref<50x4096x128xf32, #tpu.memory_space<hbm>> -> memref<1x64x128xf32, #tpu.memory_space<hbm>>
    %dma_start3A_298 = tpu.memref_squeeze %dma_start3A_297 : memref<1x64x128xf32, #tpu.memory_space<hbm>> -> memref<64x128xf32, #tpu.memory_space<hbm>>
    %dma_start3A_299 = arith.constant 0 : i32
    %dma_start3A_300 = tpu.memref_slice %arg4[%dma_start3A_291, %add3A_289, %dma_start3A_299] : memref<50x4096x128xf32, #tpu.memory_space<hbm>> -> memref<1x64x128xf32, #tpu.memory_space<hbm>>
    %dma_start3A_301 = tpu.memref_squeeze %dma_start3A_300 : memref<1x64x128xf32, #tpu.memory_space<hbm>> -> memref<64x128xf32, #tpu.memory_space<hbm>>
    %dma_start3A_302 = arith.constant 0 : i32
    %dma_start3A_303 = arith.constant 0 : i32
    %dma_start3A_304 = tpu.memref_slice %arg6[%dma_start3A_290, %dma_start3A_302, %dma_start3A_303] : memref<10x64x128xf32, #tpu.memory_space<vmem>> -> memref<1x64x128xf32, #tpu.memory_space<vmem>>
    %dma_start3A_305 = tpu.memref_squeeze %dma_start3A_304 : memref<1x64x128xf32, #tpu.memory_space<vmem>> -> memref<64x128xf32, #tpu.memory_space<vmem>>
    tpu.enqueue_dma source(%dma_start3A_305 : memref<64x128xf32, #tpu.memory_space<vmem>>) target(%dma_start3A_301 : memref<64x128xf32, #tpu.memory_space<hbm>>) target_semaphore(%arg22 : memref<!tpu.dma_semaphore, #tpu.memory_space<semaphore_mem>>)
    %dma_wait3A_306 = arith.constant 0 : i32
    %dma_wait3A_307 = arith.constant 6 : i32
    %dma_wait3A_308 = arith.constant 0 : i32
    %dma_wait3A_309 = arith.constant 0 : i32
    %dma_wait3A_310 = tpu.memref_slice %arg6[%dma_wait3A_307, %dma_wait3A_308, %dma_wait3A_309] : memref<10x64x128xf32, #tpu.memory_space<vmem>> -> memref<1x64x128xf32, #tpu.memory_space<vmem>>
    %dma_wait3A_311 = tpu.memref_squeeze %dma_wait3A_310 : memref<1x64x128xf32, #tpu.memory_space<vmem>> -> memref<64x128xf32, #tpu.memory_space<vmem>>
    %dma_wait3A_312 = arith.constant 0 : i32
    %dma_wait3A_313 = tpu.memref_slice %arg5[%dma_wait3A_306, %dma_wait3A_312] : memref<50x128xi32, #tpu.memory_space<vmem>> -> memref<1x64xi32, #tpu.memory_space<vmem>>
    %dma_wait3A_314 = tpu.memref_squeeze %dma_wait3A_313 : memref<1x64xi32, #tpu.memory_space<vmem>> -> memref<64xi32, #tpu.memory_space<vmem>>
    %dma_wait3A_315 = arith.constant 0 : i32
    %dma_wait3A_316 = arith.constant 0 : i32
    %dma_wait3A_317 = tpu.memref_slice %arg3[%dma_wait3A_315, %dma_wait3A_316] : memref<100000x128xf32, #tpu.memory_space<hbm>> -> memref<100000x128xf32, #tpu.memory_space<hbm>>
    tpu.wait_indirect_dma semaphore(%arg13 : memref<!tpu.dma_semaphore, #tpu.memory_space<semaphore_mem>>) src(%dma_wait3A_317 : memref<100000x128xf32, #tpu.memory_space<hbm>>) dst(%dma_wait3A_311 : memref<64x128xf32, #tpu.memory_space<vmem>>)
    %add3A_318 = arith.constant 0 : i32
    %add3A_319 = arith.addi %mul3A_2, %add3A_318 : i32
    %dma_start3A_320 = arith.constant 6 : i32
    %dma_start3A_321 = arith.constant 48 : i32
    %dma_start3A_322 = arith.constant 0 : i32
    %dma_start3A_323 = arith.constant 0 : i32
    %dma_start3A_324 = tpu.memref_slice %arg6[%dma_start3A_320, %dma_start3A_322, %dma_start3A_323] : memref<10x64x128xf32, #tpu.memory_space<vmem>> -> memref<1x64x128xf32, #tpu.memory_space<vmem>>
    %dma_start3A_325 = tpu.memref_squeeze %dma_start3A_324 : memref<1x64x128xf32, #tpu.memory_space<vmem>> -> memref<64x128xf32, #tpu.memory_space<vmem>>
    %dma_start3A_326 = arith.constant 0 : i32
    %dma_start3A_327 = tpu.memref_slice %arg4[%dma_start3A_321, %add3A_319, %dma_start3A_326] : memref<50x4096x128xf32, #tpu.memory_space<hbm>> -> memref<1x64x128xf32, #tpu.memory_space<hbm>>
    %dma_start3A_328 = tpu.memref_squeeze %dma_start3A_327 : memref<1x64x128xf32, #tpu.memory_space<hbm>> -> memref<64x128xf32, #tpu.memory_space<hbm>>
    %dma_start3A_329 = arith.constant 0 : i32
    %dma_start3A_330 = tpu.memref_slice %arg4[%dma_start3A_321, %add3A_319, %dma_start3A_329] : memref<50x4096x128xf32, #tpu.memory_space<hbm>> -> memref<1x64x128xf32, #tpu.memory_space<hbm>>
    %dma_start3A_331 = tpu.memref_squeeze %dma_start3A_330 : memref<1x64x128xf32, #tpu.memory_space<hbm>> -> memref<64x128xf32, #tpu.memory_space<hbm>>
    %dma_start3A_332 = arith.constant 0 : i32
    %dma_start3A_333 = arith.constant 0 : i32
    %dma_start3A_334 = tpu.memref_slice %arg6[%dma_start3A_320, %dma_start3A_332, %dma_start3A_333] : memref<10x64x128xf32, #tpu.memory_space<vmem>> -> memref<1x64x128xf32, #tpu.memory_space<vmem>>
    %dma_start3A_335 = tpu.memref_squeeze %dma_start3A_334 : memref<1x64x128xf32, #tpu.memory_space<vmem>> -> memref<64x128xf32, #tpu.memory_space<vmem>>
    tpu.enqueue_dma source(%dma_start3A_335 : memref<64x128xf32, #tpu.memory_space<vmem>>) target(%dma_start3A_331 : memref<64x128xf32, #tpu.memory_space<hbm>>) target_semaphore(%arg23 : memref<!tpu.dma_semaphore, #tpu.memory_space<semaphore_mem>>)
    %dma_wait3A_336 = arith.constant 0 : i32
    %dma_wait3A_337 = arith.constant 7 : i32
    %dma_wait3A_338 = arith.constant 0 : i32
    %dma_wait3A_339 = arith.constant 0 : i32
    %dma_wait3A_340 = tpu.memref_slice %arg6[%dma_wait3A_337, %dma_wait3A_338, %dma_wait3A_339] : memref<10x64x128xf32, #tpu.memory_space<vmem>> -> memref<1x64x128xf32, #tpu.memory_space<vmem>>
    %dma_wait3A_341 = tpu.memref_squeeze %dma_wait3A_340 : memref<1x64x128xf32, #tpu.memory_space<vmem>> -> memref<64x128xf32, #tpu.memory_space<vmem>>
    %dma_wait3A_342 = arith.constant 0 : i32
    %dma_wait3A_343 = tpu.memref_slice %arg5[%dma_wait3A_336, %dma_wait3A_342] : memref<50x128xi32, #tpu.memory_space<vmem>> -> memref<1x64xi32, #tpu.memory_space<vmem>>
    %dma_wait3A_344 = tpu.memref_squeeze %dma_wait3A_343 : memref<1x64xi32, #tpu.memory_space<vmem>> -> memref<64xi32, #tpu.memory_space<vmem>>
    %dma_wait3A_345 = arith.constant 0 : i32
    %dma_wait3A_346 = arith.constant 0 : i32
    %dma_wait3A_347 = tpu.memref_slice %arg3[%dma_wait3A_345, %dma_wait3A_346] : memref<100000x128xf32, #tpu.memory_space<hbm>> -> memref<100000x128xf32, #tpu.memory_space<hbm>>
    tpu.wait_indirect_dma semaphore(%arg14 : memref<!tpu.dma_semaphore, #tpu.memory_space<semaphore_mem>>) src(%dma_wait3A_347 : memref<100000x128xf32, #tpu.memory_space<hbm>>) dst(%dma_wait3A_341 : memref<64x128xf32, #tpu.memory_space<vmem>>)
    %add3A_348 = arith.constant 64 : i32
    %add3A_349 = arith.addi %mul3A_2, %add3A_348 : i32
    %dma_start3A_350 = arith.constant 7 : i32
    %dma_start3A_351 = arith.constant 48 : i32
    %dma_start3A_352 = arith.constant 0 : i32
    %dma_start3A_353 = arith.constant 0 : i32
    %dma_start3A_354 = tpu.memref_slice %arg6[%dma_start3A_350, %dma_start3A_352, %dma_start3A_353] : memref<10x64x128xf32, #tpu.memory_space<vmem>> -> memref<1x64x128xf32, #tpu.memory_space<vmem>>
    %dma_start3A_355 = tpu.memref_squeeze %dma_start3A_354 : memref<1x64x128xf32, #tpu.memory_space<vmem>> -> memref<64x128xf32, #tpu.memory_space<vmem>>
    %dma_start3A_356 = arith.constant 0 : i32
    %dma_start3A_357 = tpu.memref_slice %arg4[%dma_start3A_351, %add3A_349, %dma_start3A_356] : memref<50x4096x128xf32, #tpu.memory_space<hbm>> -> memref<1x64x128xf32, #tpu.memory_space<hbm>>
    %dma_start3A_358 = tpu.memref_squeeze %dma_start3A_357 : memref<1x64x128xf32, #tpu.memory_space<hbm>> -> memref<64x128xf32, #tpu.memory_space<hbm>>
    %dma_start3A_359 = arith.constant 0 : i32
    %dma_start3A_360 = tpu.memref_slice %arg4[%dma_start3A_351, %add3A_349, %dma_start3A_359] : memref<50x4096x128xf32, #tpu.memory_space<hbm>> -> memref<1x64x128xf32, #tpu.memory_space<hbm>>
    %dma_start3A_361 = tpu.memref_squeeze %dma_start3A_360 : memref<1x64x128xf32, #tpu.memory_space<hbm>> -> memref<64x128xf32, #tpu.memory_space<hbm>>
    %dma_start3A_362 = arith.constant 0 : i32
    %dma_start3A_363 = arith.constant 0 : i32
    %dma_start3A_364 = tpu.memref_slice %arg6[%dma_start3A_350, %dma_start3A_362, %dma_start3A_363] : memref<10x64x128xf32, #tpu.memory_space<vmem>> -> memref<1x64x128xf32, #tpu.memory_space<vmem>>
    %dma_start3A_365 = tpu.memref_squeeze %dma_start3A_364 : memref<1x64x128xf32, #tpu.memory_space<vmem>> -> memref<64x128xf32, #tpu.memory_space<vmem>>
    tpu.enqueue_dma source(%dma_start3A_365 : memref<64x128xf32, #tpu.memory_space<vmem>>) target(%dma_start3A_361 : memref<64x128xf32, #tpu.memory_space<hbm>>) target_semaphore(%arg24 : memref<!tpu.dma_semaphore, #tpu.memory_space<semaphore_mem>>)
    %dma_wait3A_366 = arith.constant 0 : i32
    %dma_wait3A_367 = arith.constant 8 : i32
    %dma_wait3A_368 = arith.constant 0 : i32
    %dma_wait3A_369 = arith.constant 0 : i32
    %dma_wait3A_370 = tpu.memref_slice %arg6[%dma_wait3A_367, %dma_wait3A_368, %dma_wait3A_369] : memref<10x64x128xf32, #tpu.memory_space<vmem>> -> memref<1x64x128xf32, #tpu.memory_space<vmem>>
    %dma_wait3A_371 = tpu.memref_squeeze %dma_wait3A_370 : memref<1x64x128xf32, #tpu.memory_space<vmem>> -> memref<64x128xf32, #tpu.memory_space<vmem>>
    %dma_wait3A_372 = arith.constant 0 : i32
    %dma_wait3A_373 = tpu.memref_slice %arg5[%dma_wait3A_366, %dma_wait3A_372] : memref<50x128xi32, #tpu.memory_space<vmem>> -> memref<1x64xi32, #tpu.memory_space<vmem>>
    %dma_wait3A_374 = tpu.memref_squeeze %dma_wait3A_373 : memref<1x64xi32, #tpu.memory_space<vmem>> -> memref<64xi32, #tpu.memory_space<vmem>>
    %dma_wait3A_375 = arith.constant 0 : i32
    %dma_wait3A_376 = arith.constant 0 : i32
    %dma_wait3A_377 = tpu.memref_slice %arg3[%dma_wait3A_375, %dma_wait3A_376] : memref<100000x128xf32, #tpu.memory_space<hbm>> -> memref<100000x128xf32, #tpu.memory_space<hbm>>
    tpu.wait_indirect_dma semaphore(%arg15 : memref<!tpu.dma_semaphore, #tpu.memory_space<semaphore_mem>>) src(%dma_wait3A_377 : memref<100000x128xf32, #tpu.memory_space<hbm>>) dst(%dma_wait3A_371 : memref<64x128xf32, #tpu.memory_space<vmem>>)
    %add3A_378 = arith.constant 0 : i32
    %add3A_379 = arith.addi %mul3A_2, %add3A_378 : i32
    %dma_start3A_380 = arith.constant 8 : i32
    %dma_start3A_381 = arith.constant 49 : i32
    %dma_start3A_382 = arith.constant 0 : i32
    %dma_start3A_383 = arith.constant 0 : i32
    %dma_start3A_384 = tpu.memref_slice %arg6[%dma_start3A_380, %dma_start3A_382, %dma_start3A_383] : memref<10x64x128xf32, #tpu.memory_space<vmem>> -> memref<1x64x128xf32, #tpu.memory_space<vmem>>
    %dma_start3A_385 = tpu.memref_squeeze %dma_start3A_384 : memref<1x64x128xf32, #tpu.memory_space<vmem>> -> memref<64x128xf32, #tpu.memory_space<vmem>>
    %dma_start3A_386 = arith.constant 0 : i32
    %dma_start3A_387 = tpu.memref_slice %arg4[%dma_start3A_381, %add3A_379, %dma_start3A_386] : memref<50x4096x128xf32, #tpu.memory_space<hbm>> -> memref<1x64x128xf32, #tpu.memory_space<hbm>>
    %dma_start3A_388 = tpu.memref_squeeze %dma_start3A_387 : memref<1x64x128xf32, #tpu.memory_space<hbm>> -> memref<64x128xf32, #tpu.memory_space<hbm>>
    %dma_start3A_389 = arith.constant 0 : i32
    %dma_start3A_390 = tpu.memref_slice %arg4[%dma_start3A_381, %add3A_379, %dma_start3A_389] : memref<50x4096x128xf32, #tpu.memory_space<hbm>> -> memref<1x64x128xf32, #tpu.memory_space<hbm>>
    %dma_start3A_391 = tpu.memref_squeeze %dma_start3A_390 : memref<1x64x128xf32, #tpu.memory_space<hbm>> -> memref<64x128xf32, #tpu.memory_space<hbm>>
    %dma_start3A_392 = arith.constant 0 : i32
    %dma_start3A_393 = arith.constant 0 : i32
    %dma_start3A_394 = tpu.memref_slice %arg6[%dma_start3A_380, %dma_start3A_392, %dma_start3A_393] : memref<10x64x128xf32, #tpu.memory_space<vmem>> -> memref<1x64x128xf32, #tpu.memory_space<vmem>>
    %dma_start3A_395 = tpu.memref_squeeze %dma_start3A_394 : memref<1x64x128xf32, #tpu.memory_space<vmem>> -> memref<64x128xf32, #tpu.memory_space<vmem>>
    tpu.enqueue_dma source(%dma_start3A_395 : memref<64x128xf32, #tpu.memory_space<vmem>>) target(%dma_start3A_391 : memref<64x128xf32, #tpu.memory_space<hbm>>) target_semaphore(%arg25 : memref<!tpu.dma_semaphore, #tpu.memory_space<semaphore_mem>>)
    %dma_wait3A_396 = arith.constant 0 : i32
    %dma_wait3A_397 = arith.constant 9 : i32
    %dma_wait3A_398 = arith.constant 0 : i32
    %dma_wait3A_399 = arith.constant 0 : i32
    %dma_wait3A_400 = tpu.memref_slice %arg6[%dma_wait3A_397, %dma_wait3A_398, %dma_wait3A_399] : memref<10x64x128xf32, #tpu.memory_space<vmem>> -> memref<1x64x128xf32, #tpu.memory_space<vmem>>
    %dma_wait3A_401 = tpu.memref_squeeze %dma_wait3A_400 : memref<1x64x128xf32, #tpu.memory_space<vmem>> -> memref<64x128xf32, #tpu.memory_space<vmem>>
    %dma_wait3A_402 = arith.constant 0 : i32
    %dma_wait3A_403 = tpu.memref_slice %arg5[%dma_wait3A_396, %dma_wait3A_402] : memref<50x128xi32, #tpu.memory_space<vmem>> -> memref<1x64xi32, #tpu.memory_space<vmem>>
    %dma_wait3A_404 = tpu.memref_squeeze %dma_wait3A_403 : memref<1x64xi32, #tpu.memory_space<vmem>> -> memref<64xi32, #tpu.memory_space<vmem>>
    %dma_wait3A_405 = arith.constant 0 : i32
    %dma_wait3A_406 = arith.constant 0 : i32
    %dma_wait3A_407 = tpu.memref_slice %arg3[%dma_wait3A_405, %dma_wait3A_406] : memref<100000x128xf32, #tpu.memory_space<hbm>> -> memref<100000x128xf32, #tpu.memory_space<hbm>>
    tpu.wait_indirect_dma semaphore(%arg16 : memref<!tpu.dma_semaphore, #tpu.memory_space<semaphore_mem>>) src(%dma_wait3A_407 : memref<100000x128xf32, #tpu.memory_space<hbm>>) dst(%dma_wait3A_401 : memref<64x128xf32, #tpu.memory_space<vmem>>)
    %add3A_408 = arith.constant 64 : i32
    %add3A_409 = arith.addi %mul3A_2, %add3A_408 : i32
    %dma_start3A_410 = arith.constant 9 : i32
    %dma_start3A_411 = arith.constant 49 : i32
    %dma_start3A_412 = arith.constant 0 : i32
    %dma_start3A_413 = arith.constant 0 : i32
    %dma_start3A_414 = tpu.memref_slice %arg6[%dma_start3A_410, %dma_start3A_412, %dma_start3A_413] : memref<10x64x128xf32, #tpu.memory_space<vmem>> -> memref<1x64x128xf32, #tpu.memory_space<vmem>>
    %dma_start3A_415 = tpu.memref_squeeze %dma_start3A_414 : memref<1x64x128xf32, #tpu.memory_space<vmem>> -> memref<64x128xf32, #tpu.memory_space<vmem>>
    %dma_start3A_416 = arith.constant 0 : i32
    %dma_start3A_417 = tpu.memref_slice %arg4[%dma_start3A_411, %add3A_409, %dma_start3A_416] : memref<50x4096x128xf32, #tpu.memory_space<hbm>> -> memref<1x64x128xf32, #tpu.memory_space<hbm>>
    %dma_start3A_418 = tpu.memref_squeeze %dma_start3A_417 : memref<1x64x128xf32, #tpu.memory_space<hbm>> -> memref<64x128xf32, #tpu.memory_space<hbm>>
    %dma_start3A_419 = arith.constant 0 : i32
    %dma_start3A_420 = tpu.memref_slice %arg4[%dma_start3A_411, %add3A_409, %dma_start3A_419] : memref<50x4096x128xf32, #tpu.memory_space<hbm>> -> memref<1x64x128xf32, #tpu.memory_space<hbm>>
    %dma_start3A_421 = tpu.memref_squeeze %dma_start3A_420 : memref<1x64x128xf32, #tpu.memory_space<hbm>> -> memref<64x128xf32, #tpu.memory_space<hbm>>
    %dma_start3A_422 = arith.constant 0 : i32
    %dma_start3A_423 = arith.constant 0 : i32
    %dma_start3A_424 = tpu.memref_slice %arg6[%dma_start3A_410, %dma_start3A_422, %dma_start3A_423] : memref<10x64x128xf32, #tpu.memory_space<vmem>> -> memref<1x64x128xf32, #tpu.memory_space<vmem>>
    %dma_start3A_425 = tpu.memref_squeeze %dma_start3A_424 : memref<1x64x128xf32, #tpu.memory_space<vmem>> -> memref<64x128xf32, #tpu.memory_space<vmem>>
    tpu.enqueue_dma source(%dma_start3A_425 : memref<64x128xf32, #tpu.memory_space<vmem>>) target(%dma_start3A_421 : memref<64x128xf32, #tpu.memory_space<hbm>>) target_semaphore(%arg26 : memref<!tpu.dma_semaphore, #tpu.memory_space<semaphore_mem>>)
    %dma_wait3A_426 = arith.constant 0 : i32
    %dma_wait3A_427 = arith.constant 0 : i32
    %dma_wait3A_428 = arith.constant 0 : i32
    %dma_wait3A_429 = arith.constant 0 : i32
    %dma_wait3A_430 = tpu.memref_slice %arg6[%dma_wait3A_426, %dma_wait3A_428, %dma_wait3A_429] : memref<10x64x128xf32, #tpu.memory_space<vmem>> -> memref<1x64x128xf32, #tpu.memory_space<vmem>>
    %dma_wait3A_431 = tpu.memref_squeeze %dma_wait3A_430 : memref<1x64x128xf32, #tpu.memory_space<vmem>> -> memref<64x128xf32, #tpu.memory_space<vmem>>
    %dma_wait3A_432 = arith.constant 0 : i32
    %dma_wait3A_433 = tpu.memref_slice %arg4[%dma_wait3A_427, %mul3A_2, %dma_wait3A_432] : memref<50x4096x128xf32, #tpu.memory_space<hbm>> -> memref<1x64x128xf32, #tpu.memory_space<hbm>>
    %dma_wait3A_434 = tpu.memref_squeeze %dma_wait3A_433 : memref<1x64x128xf32, #tpu.memory_space<hbm>> -> memref<64x128xf32, #tpu.memory_space<hbm>>
    %dma_wait3A_435 = arith.constant 0 : i32
    %dma_wait3A_436 = tpu.memref_slice %arg4[%dma_wait3A_427, %mul3A_2, %dma_wait3A_435] : memref<50x4096x128xf32, #tpu.memory_space<hbm>> -> memref<1x64x128xf32, #tpu.memory_space<hbm>>
    %dma_wait3A_437 = tpu.memref_squeeze %dma_wait3A_436 : memref<1x64x128xf32, #tpu.memory_space<hbm>> -> memref<64x128xf32, #tpu.memory_space<hbm>>
    %dma_wait3A_438 = arith.constant 0 : i32
    %dma_wait3A_439 = arith.constant 0 : i32
    %dma_wait3A_440 = tpu.memref_slice %arg6[%dma_wait3A_426, %dma_wait3A_438, %dma_wait3A_439] : memref<10x64x128xf32, #tpu.memory_space<vmem>> -> memref<1x64x128xf32, #tpu.memory_space<vmem>>
    %dma_wait3A_441 = tpu.memref_squeeze %dma_wait3A_440 : memref<1x64x128xf32, #tpu.memory_space<vmem>> -> memref<64x128xf32, #tpu.memory_space<vmem>>
    tpu.wait_dma2 semaphore(%arg17 : memref<!tpu.dma_semaphore, #tpu.memory_space<semaphore_mem>>) src(%dma_wait3A_441 : memref<64x128xf32, #tpu.memory_space<vmem>>) dst(%dma_wait3A_437 : memref<64x128xf32, #tpu.memory_space<hbm>>)
    %dma_wait3A_442 = arith.constant 1 : i32
    %dma_wait3A_443 = arith.constant 0 : i32
    %dma_wait3A_444 = arith.constant 0 : i32
    %dma_wait3A_445 = arith.constant 0 : i32
    %dma_wait3A_446 = tpu.memref_slice %arg6[%dma_wait3A_442, %dma_wait3A_444, %dma_wait3A_445] : memref<10x64x128xf32, #tpu.memory_space<vmem>> -> memref<1x64x128xf32, #tpu.memory_space<vmem>>
    %dma_wait3A_447 = tpu.memref_squeeze %dma_wait3A_446 : memref<1x64x128xf32, #tpu.memory_space<vmem>> -> memref<64x128xf32, #tpu.memory_space<vmem>>
    %dma_wait3A_448 = arith.constant 0 : i32
    %dma_wait3A_449 = tpu.memref_slice %arg4[%dma_wait3A_443, %mul3A_2, %dma_wait3A_448] : memref<50x4096x128xf32, #tpu.memory_space<hbm>> -> memref<1x64x128xf32, #tpu.memory_space<hbm>>
    %dma_wait3A_450 = tpu.memref_squeeze %dma_wait3A_449 : memref<1x64x128xf32, #tpu.memory_space<hbm>> -> memref<64x128xf32, #tpu.memory_space<hbm>>
    %dma_wait3A_451 = arith.constant 0 : i32
    %dma_wait3A_452 = tpu.memref_slice %arg4[%dma_wait3A_443, %mul3A_2, %dma_wait3A_451] : memref<50x4096x128xf32, #tpu.memory_space<hbm>> -> memref<1x64x128xf32, #tpu.memory_space<hbm>>
    %dma_wait3A_453 = tpu.memref_squeeze %dma_wait3A_452 : memref<1x64x128xf32, #tpu.memory_space<hbm>> -> memref<64x128xf32, #tpu.memory_space<hbm>>
    %dma_wait3A_454 = arith.constant 0 : i32
    %dma_wait3A_455 = arith.constant 0 : i32
    %dma_wait3A_456 = tpu.memref_slice %arg6[%dma_wait3A_442, %dma_wait3A_454, %dma_wait3A_455] : memref<10x64x128xf32, #tpu.memory_space<vmem>> -> memref<1x64x128xf32, #tpu.memory_space<vmem>>
    %dma_wait3A_457 = tpu.memref_squeeze %dma_wait3A_456 : memref<1x64x128xf32, #tpu.memory_space<vmem>> -> memref<64x128xf32, #tpu.memory_space<vmem>>
    tpu.wait_dma2 semaphore(%arg18 : memref<!tpu.dma_semaphore, #tpu.memory_space<semaphore_mem>>) src(%dma_wait3A_457 : memref<64x128xf32, #tpu.memory_space<vmem>>) dst(%dma_wait3A_453 : memref<64x128xf32, #tpu.memory_space<hbm>>)
    %dma_wait3A_458 = arith.constant 2 : i32
    %dma_wait3A_459 = arith.constant 0 : i32
    %dma_wait3A_460 = arith.constant 0 : i32
    %dma_wait3A_461 = arith.constant 0 : i32
    %dma_wait3A_462 = tpu.memref_slice %arg6[%dma_wait3A_458, %dma_wait3A_460, %dma_wait3A_461] : memref<10x64x128xf32, #tpu.memory_space<vmem>> -> memref<1x64x128xf32, #tpu.memory_space<vmem>>
    %dma_wait3A_463 = tpu.memref_squeeze %dma_wait3A_462 : memref<1x64x128xf32, #tpu.memory_space<vmem>> -> memref<64x128xf32, #tpu.memory_space<vmem>>
    %dma_wait3A_464 = arith.constant 0 : i32
    %dma_wait3A_465 = tpu.memref_slice %arg4[%dma_wait3A_459, %mul3A_2, %dma_wait3A_464] : memref<50x4096x128xf32, #tpu.memory_space<hbm>> -> memref<1x64x128xf32, #tpu.memory_space<hbm>>
    %dma_wait3A_466 = tpu.memref_squeeze %dma_wait3A_465 : memref<1x64x128xf32, #tpu.memory_space<hbm>> -> memref<64x128xf32, #tpu.memory_space<hbm>>
    %dma_wait3A_467 = arith.constant 0 : i32
    %dma_wait3A_468 = tpu.memref_slice %arg4[%dma_wait3A_459, %mul3A_2, %dma_wait3A_467] : memref<50x4096x128xf32, #tpu.memory_space<hbm>> -> memref<1x64x128xf32, #tpu.memory_space<hbm>>
    %dma_wait3A_469 = tpu.memref_squeeze %dma_wait3A_468 : memref<1x64x128xf32, #tpu.memory_space<hbm>> -> memref<64x128xf32, #tpu.memory_space<hbm>>
    %dma_wait3A_470 = arith.constant 0 : i32
    %dma_wait3A_471 = arith.constant 0 : i32
    %dma_wait3A_472 = tpu.memref_slice %arg6[%dma_wait3A_458, %dma_wait3A_470, %dma_wait3A_471] : memref<10x64x128xf32, #tpu.memory_space<vmem>> -> memref<1x64x128xf32, #tpu.memory_space<vmem>>
    %dma_wait3A_473 = tpu.memref_squeeze %dma_wait3A_472 : memref<1x64x128xf32, #tpu.memory_space<vmem>> -> memref<64x128xf32, #tpu.memory_space<vmem>>
    tpu.wait_dma2 semaphore(%arg19 : memref<!tpu.dma_semaphore, #tpu.memory_space<semaphore_mem>>) src(%dma_wait3A_473 : memref<64x128xf32, #tpu.memory_space<vmem>>) dst(%dma_wait3A_469 : memref<64x128xf32, #tpu.memory_space<hbm>>)
    %dma_wait3A_474 = arith.constant 3 : i32
    %dma_wait3A_475 = arith.constant 0 : i32
    %dma_wait3A_476 = arith.constant 0 : i32
    %dma_wait3A_477 = arith.constant 0 : i32
    %dma_wait3A_478 = tpu.memref_slice %arg6[%dma_wait3A_474, %dma_wait3A_476, %dma_wait3A_477] : memref<10x64x128xf32, #tpu.memory_space<vmem>> -> memref<1x64x128xf32, #tpu.memory_space<vmem>>
    %dma_wait3A_479 = tpu.memref_squeeze %dma_wait3A_478 : memref<1x64x128xf32, #tpu.memory_space<vmem>> -> memref<64x128xf32, #tpu.memory_space<vmem>>
    %dma_wait3A_480 = arith.constant 0 : i32
    %dma_wait3A_481 = tpu.memref_slice %arg4[%dma_wait3A_475, %mul3A_2, %dma_wait3A_480] : memref<50x4096x128xf32, #tpu.memory_space<hbm>> -> memref<1x64x128xf32, #tpu.memory_space<hbm>>
    %dma_wait3A_482 = tpu.memref_squeeze %dma_wait3A_481 : memref<1x64x128xf32, #tpu.memory_space<hbm>> -> memref<64x128xf32, #tpu.memory_space<hbm>>
    %dma_wait3A_483 = arith.constant 0 : i32
    %dma_wait3A_484 = tpu.memref_slice %arg4[%dma_wait3A_475, %mul3A_2, %dma_wait3A_483] : memref<50x4096x128xf32, #tpu.memory_space<hbm>> -> memref<1x64x128xf32, #tpu.memory_space<hbm>>
    %dma_wait3A_485 = tpu.memref_squeeze %dma_wait3A_484 : memref<1x64x128xf32, #tpu.memory_space<hbm>> -> memref<64x128xf32, #tpu.memory_space<hbm>>
    %dma_wait3A_486 = arith.constant 0 : i32
    %dma_wait3A_487 = arith.constant 0 : i32
    %dma_wait3A_488 = tpu.memref_slice %arg6[%dma_wait3A_474, %dma_wait3A_486, %dma_wait3A_487] : memref<10x64x128xf32, #tpu.memory_space<vmem>> -> memref<1x64x128xf32, #tpu.memory_space<vmem>>
    %dma_wait3A_489 = tpu.memref_squeeze %dma_wait3A_488 : memref<1x64x128xf32, #tpu.memory_space<vmem>> -> memref<64x128xf32, #tpu.memory_space<vmem>>
    tpu.wait_dma2 semaphore(%arg20 : memref<!tpu.dma_semaphore, #tpu.memory_space<semaphore_mem>>) src(%dma_wait3A_489 : memref<64x128xf32, #tpu.memory_space<vmem>>) dst(%dma_wait3A_485 : memref<64x128xf32, #tpu.memory_space<hbm>>)
    %dma_wait3A_490 = arith.constant 4 : i32
    %dma_wait3A_491 = arith.constant 0 : i32
    %dma_wait3A_492 = arith.constant 0 : i32
    %dma_wait3A_493 = arith.constant 0 : i32
    %dma_wait3A_494 = tpu.memref_slice %arg6[%dma_wait3A_490, %dma_wait3A_492, %dma_wait3A_493] : memref<10x64x128xf32, #tpu.memory_space<vmem>> -> memref<1x64x128xf32, #tpu.memory_space<vmem>>
    %dma_wait3A_495 = tpu.memref_squeeze %dma_wait3A_494 : memref<1x64x128xf32, #tpu.memory_space<vmem>> -> memref<64x128xf32, #tpu.memory_space<vmem>>
    %dma_wait3A_496 = arith.constant 0 : i32
    %dma_wait3A_497 = tpu.memref_slice %arg4[%dma_wait3A_491, %mul3A_2, %dma_wait3A_496] : memref<50x4096x128xf32, #tpu.memory_space<hbm>> -> memref<1x64x128xf32, #tpu.memory_space<hbm>>
    %dma_wait3A_498 = tpu.memref_squeeze %dma_wait3A_497 : memref<1x64x128xf32, #tpu.memory_space<hbm>> -> memref<64x128xf32, #tpu.memory_space<hbm>>
    %dma_wait3A_499 = arith.constant 0 : i32
    %dma_wait3A_500 = tpu.memref_slice %arg4[%dma_wait3A_491, %mul3A_2, %dma_wait3A_499] : memref<50x4096x128xf32, #tpu.memory_space<hbm>> -> memref<1x64x128xf32, #tpu.memory_space<hbm>>
    %dma_wait3A_501 = tpu.memref_squeeze %dma_wait3A_500 : memref<1x64x128xf32, #tpu.memory_space<hbm>> -> memref<64x128xf32, #tpu.memory_space<hbm>>
    %dma_wait3A_502 = arith.constant 0 : i32
    %dma_wait3A_503 = arith.constant 0 : i32
    %dma_wait3A_504 = tpu.memref_slice %arg6[%dma_wait3A_490, %dma_wait3A_502, %dma_wait3A_503] : memref<10x64x128xf32, #tpu.memory_space<vmem>> -> memref<1x64x128xf32, #tpu.memory_space<vmem>>
    %dma_wait3A_505 = tpu.memref_squeeze %dma_wait3A_504 : memref<1x64x128xf32, #tpu.memory_space<vmem>> -> memref<64x128xf32, #tpu.memory_space<vmem>>
    tpu.wait_dma2 semaphore(%arg21 : memref<!tpu.dma_semaphore, #tpu.memory_space<semaphore_mem>>) src(%dma_wait3A_505 : memref<64x128xf32, #tpu.memory_space<vmem>>) dst(%dma_wait3A_501 : memref<64x128xf32, #tpu.memory_space<hbm>>)
    %dma_wait3A_506 = arith.constant 5 : i32
    %dma_wait3A_507 = arith.constant 0 : i32
    %dma_wait3A_508 = arith.constant 0 : i32
    %dma_wait3A_509 = arith.constant 0 : i32
    %dma_wait3A_510 = tpu.memref_slice %arg6[%dma_wait3A_506, %dma_wait3A_508, %dma_wait3A_509] : memref<10x64x128xf32, #tpu.memory_space<vmem>> -> memref<1x64x128xf32, #tpu.memory_space<vmem>>
    %dma_wait3A_511 = tpu.memref_squeeze %dma_wait3A_510 : memref<1x64x128xf32, #tpu.memory_space<vmem>> -> memref<64x128xf32, #tpu.memory_space<vmem>>
    %dma_wait3A_512 = arith.constant 0 : i32
    %dma_wait3A_513 = tpu.memref_slice %arg4[%dma_wait3A_507, %mul3A_2, %dma_wait3A_512] : memref<50x4096x128xf32, #tpu.memory_space<hbm>> -> memref<1x64x128xf32, #tpu.memory_space<hbm>>
    %dma_wait3A_514 = tpu.memref_squeeze %dma_wait3A_513 : memref<1x64x128xf32, #tpu.memory_space<hbm>> -> memref<64x128xf32, #tpu.memory_space<hbm>>
    %dma_wait3A_515 = arith.constant 0 : i32
    %dma_wait3A_516 = tpu.memref_slice %arg4[%dma_wait3A_507, %mul3A_2, %dma_wait3A_515] : memref<50x4096x128xf32, #tpu.memory_space<hbm>> -> memref<1x64x128xf32, #tpu.memory_space<hbm>>
    %dma_wait3A_517 = tpu.memref_squeeze %dma_wait3A_516 : memref<1x64x128xf32, #tpu.memory_space<hbm>> -> memref<64x128xf32, #tpu.memory_space<hbm>>
    %dma_wait3A_518 = arith.constant 0 : i32
    %dma_wait3A_519 = arith.constant 0 : i32
    %dma_wait3A_520 = tpu.memref_slice %arg6[%dma_wait3A_506, %dma_wait3A_518, %dma_wait3A_519] : memref<10x64x128xf32, #tpu.memory_space<vmem>> -> memref<1x64x128xf32, #tpu.memory_space<vmem>>
    %dma_wait3A_521 = tpu.memref_squeeze %dma_wait3A_520 : memref<1x64x128xf32, #tpu.memory_space<vmem>> -> memref<64x128xf32, #tpu.memory_space<vmem>>
    tpu.wait_dma2 semaphore(%arg22 : memref<!tpu.dma_semaphore, #tpu.memory_space<semaphore_mem>>) src(%dma_wait3A_521 : memref<64x128xf32, #tpu.memory_space<vmem>>) dst(%dma_wait3A_517 : memref<64x128xf32, #tpu.memory_space<hbm>>)
    %dma_wait3A_522 = arith.constant 6 : i32
    %dma_wait3A_523 = arith.constant 0 : i32
    %dma_wait3A_524 = arith.constant 0 : i32
    %dma_wait3A_525 = arith.constant 0 : i32
    %dma_wait3A_526 = tpu.memref_slice %arg6[%dma_wait3A_522, %dma_wait3A_524, %dma_wait3A_525] : memref<10x64x128xf32, #tpu.memory_space<vmem>> -> memref<1x64x128xf32, #tpu.memory_space<vmem>>
    %dma_wait3A_527 = tpu.memref_squeeze %dma_wait3A_526 : memref<1x64x128xf32, #tpu.memory_space<vmem>> -> memref<64x128xf32, #tpu.memory_space<vmem>>
    %dma_wait3A_528 = arith.constant 0 : i32
    %dma_wait3A_529 = tpu.memref_slice %arg4[%dma_wait3A_523, %mul3A_2, %dma_wait3A_528] : memref<50x4096x128xf32, #tpu.memory_space<hbm>> -> memref<1x64x128xf32, #tpu.memory_space<hbm>>
    %dma_wait3A_530 = tpu.memref_squeeze %dma_wait3A_529 : memref<1x64x128xf32, #tpu.memory_space<hbm>> -> memref<64x128xf32, #tpu.memory_space<hbm>>
    %dma_wait3A_531 = arith.constant 0 : i32
    %dma_wait3A_532 = tpu.memref_slice %arg4[%dma_wait3A_523, %mul3A_2, %dma_wait3A_531] : memref<50x4096x128xf32, #tpu.memory_space<hbm>> -> memref<1x64x128xf32, #tpu.memory_space<hbm>>
    %dma_wait3A_533 = tpu.memref_squeeze %dma_wait3A_532 : memref<1x64x128xf32, #tpu.memory_space<hbm>> -> memref<64x128xf32, #tpu.memory_space<hbm>>
    %dma_wait3A_534 = arith.constant 0 : i32
    %dma_wait3A_535 = arith.constant 0 : i32
    %dma_wait3A_536 = tpu.memref_slice %arg6[%dma_wait3A_522, %dma_wait3A_534, %dma_wait3A_535] : memref<10x64x128xf32, #tpu.memory_space<vmem>> -> memref<1x64x128xf32, #tpu.memory_space<vmem>>
    %dma_wait3A_537 = tpu.memref_squeeze %dma_wait3A_536 : memref<1x64x128xf32, #tpu.memory_space<vmem>> -> memref<64x128xf32, #tpu.memory_space<vmem>>
    tpu.wait_dma2 semaphore(%arg23 : memref<!tpu.dma_semaphore, #tpu.memory_space<semaphore_mem>>) src(%dma_wait3A_537 : memref<64x128xf32, #tpu.memory_space<vmem>>) dst(%dma_wait3A_533 : memref<64x128xf32, #tpu.memory_space<hbm>>)
    %dma_wait3A_538 = arith.constant 7 : i32
    %dma_wait3A_539 = arith.constant 0 : i32
    %dma_wait3A_540 = arith.constant 0 : i32
    %dma_wait3A_541 = arith.constant 0 : i32
    %dma_wait3A_542 = tpu.memref_slice %arg6[%dma_wait3A_538, %dma_wait3A_540, %dma_wait3A_541] : memref<10x64x128xf32, #tpu.memory_space<vmem>> -> memref<1x64x128xf32, #tpu.memory_space<vmem>>
    %dma_wait3A_543 = tpu.memref_squeeze %dma_wait3A_542 : memref<1x64x128xf32, #tpu.memory_space<vmem>> -> memref<64x128xf32, #tpu.memory_space<vmem>>
    %dma_wait3A_544 = arith.constant 0 : i32
    %dma_wait3A_545 = tpu.memref_slice %arg4[%dma_wait3A_539, %mul3A_2, %dma_wait3A_544] : memref<50x4096x128xf32, #tpu.memory_space<hbm>> -> memref<1x64x128xf32, #tpu.memory_space<hbm>>
    %dma_wait3A_546 = tpu.memref_squeeze %dma_wait3A_545 : memref<1x64x128xf32, #tpu.memory_space<hbm>> -> memref<64x128xf32, #tpu.memory_space<hbm>>
    %dma_wait3A_547 = arith.constant 0 : i32
    %dma_wait3A_548 = tpu.memref_slice %arg4[%dma_wait3A_539, %mul3A_2, %dma_wait3A_547] : memref<50x4096x128xf32, #tpu.memory_space<hbm>> -> memref<1x64x128xf32, #tpu.memory_space<hbm>>
    %dma_wait3A_549 = tpu.memref_squeeze %dma_wait3A_548 : memref<1x64x128xf32, #tpu.memory_space<hbm>> -> memref<64x128xf32, #tpu.memory_space<hbm>>
    %dma_wait3A_550 = arith.constant 0 : i32
    %dma_wait3A_551 = arith.constant 0 : i32
    %dma_wait3A_552 = tpu.memref_slice %arg6[%dma_wait3A_538, %dma_wait3A_550, %dma_wait3A_551] : memref<10x64x128xf32, #tpu.memory_space<vmem>> -> memref<1x64x128xf32, #tpu.memory_space<vmem>>
    %dma_wait3A_553 = tpu.memref_squeeze %dma_wait3A_552 : memref<1x64x128xf32, #tpu.memory_space<vmem>> -> memref<64x128xf32, #tpu.memory_space<vmem>>
    tpu.wait_dma2 semaphore(%arg24 : memref<!tpu.dma_semaphore, #tpu.memory_space<semaphore_mem>>) src(%dma_wait3A_553 : memref<64x128xf32, #tpu.memory_space<vmem>>) dst(%dma_wait3A_549 : memref<64x128xf32, #tpu.memory_space<hbm>>)
    %dma_wait3A_554 = arith.constant 8 : i32
    %dma_wait3A_555 = arith.constant 0 : i32
    %dma_wait3A_556 = arith.constant 0 : i32
    %dma_wait3A_557 = arith.constant 0 : i32
    %dma_wait3A_558 = tpu.memref_slice %arg6[%dma_wait3A_554, %dma_wait3A_556, %dma_wait3A_557] : memref<10x64x128xf32, #tpu.memory_space<vmem>> -> memref<1x64x128xf32, #tpu.memory_space<vmem>>
    %dma_wait3A_559 = tpu.memref_squeeze %dma_wait3A_558 : memref<1x64x128xf32, #tpu.memory_space<vmem>> -> memref<64x128xf32, #tpu.memory_space<vmem>>
    %dma_wait3A_560 = arith.constant 0 : i32
    %dma_wait3A_561 = tpu.memref_slice %arg4[%dma_wait3A_555, %mul3A_2, %dma_wait3A_560] : memref<50x4096x128xf32, #tpu.memory_space<hbm>> -> memref<1x64x128xf32, #tpu.memory_space<hbm>>
    %dma_wait3A_562 = tpu.memref_squeeze %dma_wait3A_561 : memref<1x64x128xf32, #tpu.memory_space<hbm>> -> memref<64x128xf32, #tpu.memory_space<hbm>>
    %dma_wait3A_563 = arith.constant 0 : i32
    %dma_wait3A_564 = tpu.memref_slice %arg4[%dma_wait3A_555, %mul3A_2, %dma_wait3A_563] : memref<50x4096x128xf32, #tpu.memory_space<hbm>> -> memref<1x64x128xf32, #tpu.memory_space<hbm>>
    %dma_wait3A_565 = tpu.memref_squeeze %dma_wait3A_564 : memref<1x64x128xf32, #tpu.memory_space<hbm>> -> memref<64x128xf32, #tpu.memory_space<hbm>>
    %dma_wait3A_566 = arith.constant 0 : i32
    %dma_wait3A_567 = arith.constant 0 : i32
    %dma_wait3A_568 = tpu.memref_slice %arg6[%dma_wait3A_554, %dma_wait3A_566, %dma_wait3A_567] : memref<10x64x128xf32, #tpu.memory_space<vmem>> -> memref<1x64x128xf32, #tpu.memory_space<vmem>>
    %dma_wait3A_569 = tpu.memref_squeeze %dma_wait3A_568 : memref<1x64x128xf32, #tpu.memory_space<vmem>> -> memref<64x128xf32, #tpu.memory_space<vmem>>
    tpu.wait_dma2 semaphore(%arg25 : memref<!tpu.dma_semaphore, #tpu.memory_space<semaphore_mem>>) src(%dma_wait3A_569 : memref<64x128xf32, #tpu.memory_space<vmem>>) dst(%dma_wait3A_565 : memref<64x128xf32, #tpu.memory_space<hbm>>)
    %dma_wait3A_570 = arith.constant 9 : i32
    %dma_wait3A_571 = arith.constant 0 : i32
    %dma_wait3A_572 = arith.constant 0 : i32
    %dma_wait3A_573 = arith.constant 0 : i32
    %dma_wait3A_574 = tpu.memref_slice %arg6[%dma_wait3A_570, %dma_wait3A_572, %dma_wait3A_573] : memref<10x64x128xf32, #tpu.memory_space<vmem>> -> memref<1x64x128xf32, #tpu.memory_space<vmem>>
    %dma_wait3A_575 = tpu.memref_squeeze %dma_wait3A_574 : memref<1x64x128xf32, #tpu.memory_space<vmem>> -> memref<64x128xf32, #tpu.memory_space<vmem>>
    %dma_wait3A_576 = arith.constant 0 : i32
    %dma_wait3A_577 = tpu.memref_slice %arg4[%dma_wait3A_571, %mul3A_2, %dma_wait3A_576] : memref<50x4096x128xf32, #tpu.memory_space<hbm>> -> memref<1x64x128xf32, #tpu.memory_space<hbm>>
    %dma_wait3A_578 = tpu.memref_squeeze %dma_wait3A_577 : memref<1x64x128xf32, #tpu.memory_space<hbm>> -> memref<64x128xf32, #tpu.memory_space<hbm>>
    %dma_wait3A_579 = arith.constant 0 : i32
    %dma_wait3A_580 = tpu.memref_slice %arg4[%dma_wait3A_571, %mul3A_2, %dma_wait3A_579] : memref<50x4096x128xf32, #tpu.memory_space<hbm>> -> memref<1x64x128xf32, #tpu.memory_space<hbm>>
    %dma_wait3A_581 = tpu.memref_squeeze %dma_wait3A_580 : memref<1x64x128xf32, #tpu.memory_space<hbm>> -> memref<64x128xf32, #tpu.memory_space<hbm>>
    %dma_wait3A_582 = arith.constant 0 : i32
    %dma_wait3A_583 = arith.constant 0 : i32
    %dma_wait3A_584 = tpu.memref_slice %arg6[%dma_wait3A_570, %dma_wait3A_582, %dma_wait3A_583] : memref<10x64x128xf32, #tpu.memory_space<vmem>> -> memref<1x64x128xf32, #tpu.memory_space<vmem>>
    %dma_wait3A_585 = tpu.memref_squeeze %dma_wait3A_584 : memref<1x64x128xf32, #tpu.memory_space<vmem>> -> memref<64x128xf32, #tpu.memory_space<vmem>>
    tpu.wait_dma2 semaphore(%arg26 : memref<!tpu.dma_semaphore, #tpu.memory_space<semaphore_mem>>) src(%dma_wait3A_585 : memref<64x128xf32, #tpu.memory_space<vmem>>) dst(%dma_wait3A_581 : memref<64x128xf32, #tpu.memory_space<hbm>>)
    return
  }
}

</mosaic_0001>

<sc_bundles>
// kernel: kernel.3.cloned.1.call-start
scs
__scs_entry_jumppad:
0x0: {  	(pc) =	sbr.rel $0x88, $3  }
0x1: {  	(tag) =	ssettag $0x0;
	lr =	simm.s32 $0x1  }
0x2: {  	[smem:$0x3F9F] =	sst lr;
	_ =	strace $0xD0000000  }
0x3: {  	_ = 	snop  }
0x4: {  	_ = 	snop  }
0x5: {  	_ = 	snop  }
0x6: {  	_ = 	snop  }
0x7: {  	_ = 	snop  }
__scs_overlays_trampoline_lowered:
0x8: {  	[smem:$0x3FAE] =	sst s0  }
0x9: {  	[smem:$0x3FAF] =	sst s1  }
0xa: {  	[smem:$0x3FB0] =	sst s2  }
0xb: {  	[smem:$0x3FB1] =	sst s3  }
0xc: {  	[smem:$0x3FB2] =	sst s4  }
0xd: {  	[smem:$0x3FB3] =	sst s5  }
0xe: {  	[smem:$0x3FB4] =	sst s6  }
0xf: {  	[smem:$0x3FB5] =	sst s7  }
0x10: {  	[smem:$0x3FB6] =	sst s8  }
0x11: {  	[smem:$0x3FB7] =	sst s9;
	s0 =	simm.s32 @!p0 $0x0  }
0x12: {  	s1 =	sld [smem:$0x3F9D];
	s0 =	simm.s32 @p0 $0x1  }
0x13: {  	[smem:$0x3FB8] =	sst s0;
	s0 =	simm.s32 @!p1 $0x0  }
0x14: {  	s2 =	sld [smem:$0x3F9C];
	s0 =	simm.s32 @p1 $0x1  }
0x15: {  	[smem:$0x3FB9] =	sst s0;
	s0 =	simm.s32 @!p2 $0x0  }
0x16: {  	s3 =	sld [smem:$0x3FDB];
	s0 =	simm.s32 @p2 $0x1  }
0x17: {  	s4 =	simm.s32 $0x1BF5;
	[smem:$0x3FBB] =	sst s0  }
0x18: {  	s0 =	sld [smem:$0x3F9E];
	_ =	swait.ge [sflag:s4], $0x0  }
0x19: {  	s7 =	sld [smem:$0x3F9F]  }
0x1a: {  	s8 =	sadd.s32 $0xFFFFE003, lr  }
0x1b: {  	s9 =	sadd.s32 $0xFFFFFEF7, lr;
	s5 =	simm.s32 $0xFFFFFFFF;
	p2 =	slt.u32 s8, $0xFFFFF086  }
0x1c: {  	p1 =	slt.u32 s9, $0xF7A;
	s5 =	simm.s32 @!p2 $0x0  }
0x1d: {  	s5 =	simm.s32 @p1 $0x1;
	p0 =	seq.s32 s7, s2  }
0x1e: {  	s7 =	smul.u32 @!p0 $0xF7A, s2;
	p2 =	seq.s32 @!p0 s5, $0x0  }
0x1f: {  	s9 =	smul.u32 $0xF7A, s1;
	s8 =	simm.s32 @!p0 $0x1BF5;
	p2 =	por !p2, p0  }
0x20: {  	[sflag:s8] =	ssyncset.s32 @!p0 $0xFFFFF086;
	s6 =	sadd.s32 @!p0 s3, s7;
	s7 =	simm.s32 @!p0 $0x108  }
0x21: {  	s3 =	sadd.s32 s3, s9;
	s6 =	sadd.s32 @!p0 $0x88, s6;
	s7 =	simm.s32 @p2 $0x1082  }
0x22: {  	[simem:s7], [sflag:s8] =	dma.local @!p0 [hbm:s6], $0xF7A  }
0x23: {  	s9 =	sor.u32 $0xD0000000, s2;
	s6 =	simm.s32 $0x108;
	_ =	swait.ge @!p0 [sflag:s8], $0x0  }
0x24: {  	s3 =	sadd.s32 $0x88, s3;
	s6 =	simm.s32 @!p1 $0x1082;
	[sflag:s4] =	ssyncset.s32 $0xFFFFF086  }
0x25: {  	[simem:s6], [sflag:s4] =	dma.local [hbm:s3], $0xF7A  }
0x26: {  	[smem:$0x3F9F] =	sst s1;
	(tag) =	ssettag s2;
	_ =	strace s9  }
0x27: {  	s1 =	sld [smem:$0x3FAF]  }
0x28: {  	s2 =	sld [smem:$0x3FB0]  }
0x29: {  	s4 =	sld [smem:$0x3FB2]  }
0x2a: {  	p0 =	seq.s32 s5, $0x0;
	s5 =	sld [smem:$0x3FB3]  }
0x2b: {  	s6 =	sld [smem:$0x3FB4]  }
0x2c: {  	s7 =	sld [smem:$0x3FB5]  }
0x2d: {  	s3 =	simm.s32 $0x108;
	s8 =	sld [smem:$0x3FB6]  }
0x2e: {  	s3 =	simm.s32 @!p0 $0x1082;
	s9 =	sld [smem:$0x3FB7]  }
0x2f: {  	lr =	sadd.s32 s0, s3;
	s0 =	sld [smem:$0x3FAE]  }
0x30: {  	s3 =	sld [smem:$0x3FB1]  }
0x31: {  	[smem:$0x3FBA] =	sst s10  }
0x32: {  	s10 =	sld [smem:$0x3FB8];
	_ =	sdelay $0x3  }
0x33: {  	p0 =	seq.s32 s10, $0x1;
	s10 =	sld [smem:$0x3FBA];
	_ =	sdelay $0x3  }
0x34: {  	[smem:$0x3FBA] =	sst s10  }
0x35: {  	s10 =	sld [smem:$0x3FB9];
	_ =	sdelay $0x3  }
0x36: {  	p1 =	seq.s32 s10, $0x1;
	s10 =	sld [smem:$0x3FBA];
	_ =	sdelay $0x3  }
0x37: {  	[smem:$0x3FBA] =	sst s10  }
0x38: {  	s10 =	sld [smem:$0x3FBB]  }
0x39: {  	_ = 	snop;
	(pc) =	sbr.ind lr, $3  }
0x3a: {  	_ = 	snop  }
0x3b: {  	_ = 	snop  }
0x3c: {  	p2 =	seq.s32 s10, $0x1;
	s10 =	sld [smem:$0x3FBA]  }
0x3d: {  	_ =	shalt  }
0x3e: {  	_ =	shalt  }
0x3f: {  	_ =	shalt  }
0x40: {  	_ =	shalt  }
0x41: {  	_ =	shalt  }
0x42: {  	_ =	shalt  }
0x43: {  	_ =	shalt  }
0x44: {  	_ =	shalt  }
0x45: {  	_ =	shalt  }
0x46: {  	_ =	shalt  }
0x47: {  	_ =	shalt  }
0x48: {  	_ =	shalt  }
0x49: {  	_ =	shalt  }
0x4a: {  	_ =	shalt  }
0x4b: {  	_ =	shalt  }
0x4c: {  	_ =	shalt  }
0x4d: {  	_ =	shalt  }
0x4e: {  	_ =	shalt  }
0x4f: {  	_ =	shalt  }
0x50: {  	_ =	shalt  }
0x51: {  	_ =	shalt  }
0x52: {  	_ =	shalt  }
0x53: {  	_ =	shalt  }
0x54: {  	_ =	shalt  }
0x55: {  	_ =	shalt  }
0x56: {  	_ =	shalt  }
0x57: {  	_ =	shalt  }
0x58: {  	_ =	shalt  }
0x59: {  	_ =	shalt  }
0x5a: {  	_ =	shalt  }
0x5b: {  	_ =	shalt  }
0x5c: {  	_ =	shalt  }
0x5d: {  	_ =	shalt  }
0x5e: {  	_ =	shalt  }
0x5f: {  	_ =	shalt  }
0x60: {  	_ =	shalt  }
0x61: {  	_ =	shalt  }
0x62: {  	_ =	shalt  }
0x63: {  	_ =	shalt  }
0x64: {  	_ =	shalt  }
0x65: {  	_ =	shalt  }
0x66: {  	_ =	shalt  }
0x67: {  	_ =	shalt  }
0x68: {  	_ =	shalt  }
0x69: {  	_ =	shalt  }
0x6a: {  	_ =	shalt  }
0x6b: {  	_ =	shalt  }
0x6c: {  	_ =	shalt  }
0x6d: {  	_ =	shalt  }
0x6e: {  	_ =	shalt  }
0x6f: {  	_ =	shalt  }
0x70: {  	_ =	shalt  }
0x71: {  	_ =	shalt  }
0x72: {  	_ =	shalt  }
0x73: {  	_ =	shalt  }
0x74: {  	_ =	shalt  }
0x75: {  	_ =	shalt  }
0x76: {  	_ =	shalt  }
0x77: {  	_ =	shalt  }
0x78: {  	_ =	shalt  }
0x79: {  	_ =	shalt  }
0x7a: {  	_ =	shalt  }
0x7b: {  	_ =	shalt  }
0x7c: {  	_ =	shalt  }
0x7d: {  	_ =	shalt  }
0x7e: {  	_ =	shalt  }
0x7f: {  	_ =	shalt  }
0x80: {  	_ =	shalt  }
0x81: {  	_ =	shalt  }
0x82: {  	_ =	shalt  }
0x83: {  	_ =	shalt  }
0x84: {  	_ =	shalt  }
0x85: {  	_ =	shalt  }
0x86: {  	_ =	shalt  }
0x87: {  	_ =	shalt  }
.Lfunc_end0:
.L_simem_size_0:
called_computation_lowered:
.L_overlay_start_0:
0x88: {  	s2 =	sld [smem:$0x3FD9]  }
0x89: {  	s3 =	sld [smem:$0x3FFE];
	_ =	sdelay $0x1  }
0x8a: {  	s1 =	srdreg.scid  }
0x8b: {  	s0 =	sand.u32 $0x1, s1  }
0x8c: {  	s17 =	sshll.u32 s0, $0xA;
	s2 =	sadd.s32 s3, s2  }
0x8d: {  	s2 =	sadd.s32 s2, s17  }
0x8e: {  	[smem:$0x3FC6] =	sst s2  }
0x8f: {  	_ = 	snop  }
0x90: {  	s2 =	sld [smem:$0x3FC8]  }
0x91: {  	s18 =	sld [smem:$0x3FD0];
	(tm) =	ssettm $0x1  }
0x92: {  	s4 =	sld [smem:$0x3FFB];
	_ =	sdelay $0x3  }
0x93: {  	_ =	strace s4  }
0x94: {  	s4 =	sld [smem:$0x3FFC];
	_ =	sdelay $0x3  }
0x95: {  	_ =	strace s4  }
0x96: {  	s4 =	sld [smem:$0x3FFD];
	_ =	sdelay $0x3  }
0x97: {  	_ =	strace s4  }
0x98: {  	_ =	strace $0x8FFFFFFF  }
0x99: {  	s19 =	sld [smem:$0x3FDB];
	_ =	sdelay $0x1  }
0x9a: {  	s5 =	simm.s32 $_scs_section_size  }
0x9b: {  	s6 =	simm.s32 $_size__tile_overlayer_lowered;
	s7 =	simm.s32 $_tile_overlayer_lowered  }
0x9c: {  	s22 =	simm.s32 $0x1BFF;
	s21 =	sshll.u32 s7, $0x1;
	s4 =	sadd.s32 s5, s19  }
0x9d: {  	s8 =	simm.s32 $0x0;
	s20 =	sshll.u32 s6, $0x1;
	s6 =	sadd.s32 s21, s4  }
0x9e: {  	[timem:s8], [sflag:s22] =	dma.local [hbm:s6], s20  }
0x9f: {  	_ =	swait.ge [sflag:s22], s20  }
0xa0: {  	s5 =	ssub.s32 $0x0, s20;
	[sflag:s22] =	ssyncset.done $0x0  }
0xa1: {  	[sflag:s22] =	ssyncadd.s32 s5;
	_ =	sdelay $0x1  }
0xa2: {  	s23 =	simm.s32 $0x1B8B  }
0xa3: {  	_ =	swait.ge [sflag:s23], $0x1  }
0xa4: {  	[sflag:s23] =	ssyncset.done $0x0  }
0xa5: {  	s25 =	simm.s32 $0x1B8E;
	s24 =	sld [smem:$0x3FFE];
	[sflag:s23] =	ssyncadd.s32 $0xFFFFFFFF  }
0xa6: {  	s26 =	simm.s32 $execute0_lowered;
	[smem:$0x3FD2] =	sst s25  }
0xa7: {  	s6 =	sshll.u32 s26, $0x1;
	_ =	strace $0x80000046;
	[dreg:$0x1] =	wrdreg $0xFFFFFFFF  }
0xa8: {  	s28 =	simm.s32 $_size_execute0_lowered;
	s4 =	sadd.s32 s4, s6;
	[dreg:$0x0] =	wrdreg $0x0  }
0xa9: {  	s6 =	sshll.u32 s28, $0x1;
	[dreg:$0x2] =	wrdreg s4  }
0xaa: {  	[dreg:$0x3] =	wrdreg s6  }
0xab: {  	[dreg:$0x4] =	wrdreg $0xC0  }
0xac: {  	_ =	task [dreg:s8], $0x5FFFF  }
0xad: {  	[dreg:$0x1] =	wrdreg $0xFFFFFFFF  }
0xae: {  	[dreg:$0x0] =	wrdreg $0x60  }
0xaf: {  	[dreg:$0x2] =	wrdreg s24  }
0xb0: {  	[dreg:$0x3] =	wrdreg s2  }
0xb1: {  	[dreg:$0x4] =	wrdreg s18  }
0xb2: {  	[dreg:$0x5] =	wrdreg $0x9  }
0xb3: {  	_ =	task.clear_ibuf [dreg:s8], $0x6FFFF;
	_ =	strace $0x90000046  }
0xb4: {  	s29 =	simm.s32 $0x9;
	_ =	strace $0x80000048  }
0xb5: {  	_ =	swait.ge [sflag:s29], $0x1  }
0xb6: {  	[sflag:s29] =	ssyncadd.s32 $0xFFFFFFFF  }
0xb7: {  	_ =	strace $0x90000048  }
0xb8: {  	_ =	sfence  }
0xb9: {  	s30 =	sld [smem:$0x0];
	_ =	sdelay $0x2  }
0xba: {  	s31 =	sshll.u32 s1, $0xD;
	s1 =	sshrl.u32 s1, $0x2  }
0xbb: {  	s3 =	sand.u32 $0x4000, s31;
	s1 =	sadd.s32 s1, s30  }
0xbc: {  	s0 =	sor.u32 s3, s0;
	s1 =	sshll.u32 s1, $0x11  }
0xbd: {  	s0 =	sor.u32 s1, s0  }
0xbe: {  	s0 =	sadd.s32 $0x8F2B, s0  }
0xbf: {  	[sflag:s0] =	ssyncadd.remote.s32 $0x1  }
0xc0: {  	_ =	sfence.sel $0xFFFF  }
0xc1: {  	[dreg:$0x0] =	wrdreg $0xFFFFFFFF;
	(pc) =	sbr.abs _section_cstart, $3  }
0xc2: {  	[dreg:$0x1] =	wrdreg $0xFFFFFFFF  }
0xc3: {  	_ =	task.clear_ibuf [dreg:s8], $0x2FFFF;
	_ =	strace $0x9FFFFFFF  }
0xc4: {  	(tm) =	ssettm $0x7FFFFFFF  }
0xc5: {  	_ =	shalt  }
tec
execute0_lowered:
.L_overlay_start_1:
0x0: {  	(tag) =	ssettag $0x1  }
0x1: {  	s3 =	srdreg.scid;
	s8 =	stileid.u32  }
0x2: {  	s4 =	sand.u32 $0x1, s3;
	s5 =	sshll.u32 s8, $0x1  }
0x3: {  	s1 =	rddreg [dreg:$0x0];
	s5 =	sor.u32 s4, s5  }
0x4: {  	s0 =	rddreg [dreg:$0x2];
	s6 =	smul.u32 $0x380, s5;
	s5 =	sshll.u32 s5, $0xB  }
0x5: {  	s2 =	rddreg [dreg:$0x1];
	s3 =	simm.s32 $0x0;
	s5 =	sadd.s32 s5, s0  }
0x6: {  	[smem:$0x7FF] =	sst s3;
	s23 =	sadd.s32 $0x2D0400, s5  }
0x7: {  	_ =	strace $0x80000047;
	s24 =	sadd.s32 $0x2D0000, s5;
	[dreg:$0xf] =	wrdreg s23  }
0x8: {  	s29 =	sshll.u32 s8, $0xF;
	s25 =	sadd.s32 $0x2E0000, s5;
	[dreg:$0x10] =	wrdreg s24  }
0x9: {  	s7 =	ssub.s32 $0x2, s4;
	s26 =	sadd.s32 $0x2E0400, s5;
	[dreg:$0x11] =	wrdreg s25  }
0xa: {  	s4 =	sshll.u32 s4, $0xE;
	s28 =	sadd.s32 $0x2F0000, s5;
	[dreg:$0x12] =	wrdreg s26  }
0xb: {  	s22 =	sshrl.u32 s7, $0x1;
	s30 =	sadd.s32 $0x2F0400, s5;
	[dreg:$0x13] =	wrdreg s28  }
0xc: {  	s1 =	sadd.s32 s6, s1;
	s31 =	sadd.s32 $0x300000, s5;
	[dreg:$0x14] =	wrdreg s30  }
0xd: {  	s6 =	ssub.s32 s7, s22;
	s8 =	sadd.s32 $0x300400, s5;
	[dreg:$0x15] =	wrdreg s31  }
0xe: {  	s9 =	sadd.s32 $0x310000, s5;
	s5 =	sadd.s32 $0x310400, s5;
	[dreg:$0x16] =	wrdreg s8  }
0xf: {  	s7 =	simm.s32 $0x9;
	s1 =	sadd.s32 $0x400, s1;
	[dreg:$0x17] =	wrdreg s9  }
0x10: {  	[dreg:$0x18] =	wrdreg s5;
	s31 =	smax.u32 s6, $0x1;
	s6 =	simm.s32 $0x8  }
0x11: {  	s8 =	simm.s32 $0xA;
	[dreg:$0xe] =	wrdreg s1;
	s1 =	sor.u32 s4, s29  }
0x12: {  	s9 =	simm.s32 $0xB;
	[dreg:$0x19] =	wrdreg s31;
	s10 =	sor.u32 $0x202000, s1  }
0x13: {  	s11 =	sor.u32 $0x200000, s1;
	s12 =	sor.u32 $0x182000, s1;
	s16 =	sor.u32 $0x180000, s1  }
0x14: {  	s18 =	sor.u32 $0x102000, s1;
	s19 =	sor.u32 $0x100000, s1;
	s23 =	sor.u32 $0x82000, s1  }
0x15: {  	s25 =	sor.u32 $0x80000, s1;
	s26 =	sor.u32 $0x2000, s1;
	s1 =	sshrl.u32 s1, $0x3  }
0x16: {  	s4 =	sshrl.u32 s10, $0x3;
	s5 =	sshrl.u32 s11, $0x3;
	s14 =	sshrl.u32 s12, $0x3  }
0x17: {  	s17 =	sshrl.u32 s16, $0x3;
	s21 =	sshrl.u32 s19, $0x3;
	s24 =	sshrl.u32 s23, $0x3  }
0x18: {  	s29 =	sshrl.u32 s26, $0x3;
	s10 =	simm.s32 $0xC;
	s11 =	simm.s32 $0xD  }
0x19: {  	s12 =	simm.s32 $0xE;
	s16 =	simm.s32 $0x12;
	s4 =	sadd.s32 s4, s0  }
0x1a: {  	s19 =	simm.s32 $0x14;
	s13 =	sadd.s32 s5, s0;
	[dreg:$0x4] =	wrdreg s4  }
0x1b: {  	s15 =	sadd.s32 s14, s0;
	s5 =	sshrl.u32 s18, $0x3;
	[dreg:$0x5] =	wrdreg s13  }
0x1c: {  	s22 =	sadd.s32 s21, s0;
	s30 =	sadd.s32 s29, s0;
	[dreg:$0x6] =	wrdreg s15  }
0x1d: {  	s14 =	simm.s32 $0x10;
	s18 =	simm.s32 $0x13;
	[dreg:$0x9] =	wrdreg s22  }
0x1e: {  	s4 =	sadd.s32 s17, s0;
	s20 =	sadd.s32 s5, s0;
	[dreg:$0xc] =	wrdreg s30  }
0x1f: {  	s5 =	sshrl.u32 s25, $0x3;
	s17 =	simm.s32 $0x40;
	[dreg:$0x7] =	wrdreg s4  }
0x20: {  	s13 =	simm.s32 $0xF;
	[dreg:$0x8] =	wrdreg s20;
	s4 =	sadd.s32 s24, s0  }
0x21: {  	s15 =	simm.s32 $0x11;
	s28 =	sadd.s32 s5, s0;
	[dreg:$0xa] =	wrdreg s4  }
0x22: {  	s22 =	simm.s32 $0x11C00;
	s0 =	sadd.s32 s1, s0;
	[dreg:$0xb] =	wrdreg s28  }
0x23: {  	s5 =	simm.s32 $0x7;
	[dreg:$0xd] =	wrdreg s0;
	s0 =	simm.s32 $0x0  }
.LBB2_1:
0x24: {  	[dreg:$0x1a] =	wrdreg s0  }
0x25: {  	s21 =	rddreg [dreg:$0xe];
	s26 =	simm.s32 $0x15  }
0x26: {  	[tilespmem:s3], [sflag:$0x15] =	stream.linear.gather [hbm4b:s21+s3], $0x1900, $0x38;
	[tilespmem:$0x15C00] =	vst v63  }
0x27: {  	_ =	swait.ge [sflag:s26], $0x1900  }
0x28: {  	[sflag:s26] =	ssyncset.done $0x0  }
0x29: {  	s23 =	simm.s32 $0x1C00;
	[sflag:s26] =	ssyncadd.s32 $0xFFFFE700  }
0x2a: {  	[tilespmem:s23], [sflag:$0x1] =	stream.indirect.gather [hbm4b:s2+s17], $0x80, s3, s17, $0xb8;
	[tilespmem:$0x15C00] =	vst v63  }
0x2b: {  	s1 =	simm.s32 $0x3C00  }
0x2c: {  	[tilespmem:s1], [sflag:$0x2] =	stream.indirect.gather [hbm4b:s2+s17], $0x80, s17, s17, $0xb8;
	[tilespmem:$0x15C00] =	vst v63  }
0x2d: {  	s28 =	simm.s32 $0x80;
	s20 =	simm.s32 $0x5C00  }
0x2e: {  	[tilespmem:s20], [sflag:$0x3] =	stream.indirect.gather [hbm4b:s2+s17], $0x80, s28, s17, $0xb8;
	[tilespmem:$0x15C00] =	vst v63  }
0x2f: {  	s29 =	simm.s32 $0xC0;
	s24 =	simm.s32 $0x7C00  }
0x30: {  	[tilespmem:s24], [sflag:$0x4] =	stream.indirect.gather [hbm4b:s2+s17], $0x80, s29, s17, $0xb8;
	[tilespmem:$0x15C00] =	vst v63  }
0x31: {  	s30 =	simm.s32 $0x100;
	s25 =	simm.s32 $0x9C00  }
0x32: {  	[tilespmem:s25], [sflag:$0x5] =	stream.indirect.gather [hbm4b:s2+s17], $0x80, s30, s17, $0xb8;
	[tilespmem:$0x15C00] =	vst v63  }
0x33: {  	s31 =	simm.s32 $0x140;
	s26 =	simm.s32 $0xBC00  }
0x34: {  	[tilespmem:s26], [sflag:$0x6] =	stream.indirect.gather [hbm4b:s2+s17], $0x80, s31, s17, $0xb8;
	[tilespmem:$0x15C00] =	vst v63  }
0x35: {  	s0 =	simm.s32 $0x180;
	s28 =	simm.s32 $0xDC00  }
0x36: {  	[tilespmem:s28], [sflag:$0x7] =	stream.indirect.gather [hbm4b:s2+s17], $0x80, s0, s17, $0xb8;
	[tilespmem:$0x15C00] =	vst v63  }
0x37: {  	s4 =	simm.s32 $0x1C0;
	s29 =	simm.s32 $0xFC00  }
0x38: {  	[tilespmem:s29], [sflag:$0x8] =	stream.indirect.gather [hbm4b:s2+s17], $0x80, s4, s17, $0xb8;
	[tilespmem:$0x15C00] =	vst v63  }
0x39: {  	s21 =	simm.s32 $0x200;
	s30 =	simm.s32 $0x11C00  }
0x3a: {  	[tilespmem:s30], [sflag:$0x9] =	stream.indirect.gather [hbm4b:s2+s17], $0x80, s21, s17, $0xb8;
	[tilespmem:$0x15C00] =	vst v63  }
0x3b: {  	s31 =	simm.s32 $0x240;
	s4 =	simm.s32 $0x13C00;
	s21 =	simm.s32 $0x1  }
0x3c: {  	[tilespmem:s4], [sflag:$0xA] =	stream.indirect.gather [hbm4b:s2+s17], $0x80, s31, s17, $0xb8;
	[tilespmem:$0x15C00] =	vst v63  }
0x3d: {  	_ =	swait.ge [sflag:s21], $0x2000  }
0x3e: {  	s31 =	rddreg [dreg:$0xd];
	[sflag:s21] =	ssyncset.done $0x0  }
0x3f: {  	[sflag:s21] =	ssyncadd.s32 $0xFFFFE000;
	s21 =	sadd.s32 $0x0, s31  }
0x40: {  	[hbm4b:s21+s3] =	stream.linear.scatter [tilespmem:s23], [sflag:$0xB], $0x2000, $0x38;
	[tilespmem:$0x15C00] =	vst v63  }
0x41: {  	s21 =	simm.s32 $0x2  }
0x42: {  	_ =	swait.ge [sflag:s21], $0x2000  }
0x43: {  	s31 =	rddreg [dreg:$0xc];
	[sflag:s21] =	ssyncset.done $0x0  }
0x44: {  	[sflag:s21] =	ssyncadd.s32 $0xFFFFE000;
	s21 =	sadd.s32 $0x0, s31  }
0x45: {  	[hbm4b:s21+s3] =	stream.linear.scatter [tilespmem:s1], [sflag:$0xC], $0x2000, $0x38;
	[tilespmem:$0x15C00] =	vst v63  }
0x46: {  	s21 =	simm.s32 $0x3  }
0x47: {  	_ =	swait.ge [sflag:s21], $0x2000  }
0x48: {  	s31 =	rddreg [dreg:$0xb];
	[sflag:s21] =	ssyncset.done $0x0  }
0x49: {  	[sflag:s21] =	ssyncadd.s32 $0xFFFFE000;
	s21 =	sadd.s32 $0x0, s31  }
0x4a: {  	[hbm4b:s21+s3] =	stream.linear.scatter [tilespmem:s20], [sflag:$0xD], $0x2000, $0x38;
	[tilespmem:$0x15C00] =	vst v63  }
0x4b: {  	s21 =	simm.s32 $0x4  }
0x4c: {  	_ =	swait.ge [sflag:s21], $0x2000  }
0x4d: {  	s31 =	rddreg [dreg:$0xa];
	[sflag:s21] =	ssyncset.done $0x0  }
0x4e: {  	[sflag:s21] =	ssyncadd.s32 $0xFFFFE000;
	s21 =	sadd.s32 $0x0, s31  }
0x4f: {  	[hbm4b:s21+s3] =	stream.linear.scatter [tilespmem:s24], [sflag:$0xE], $0x2000, $0x38;
	[tilespmem:$0x15C00] =	vst v63  }
0x50: {  	s21 =	simm.s32 $0x5  }
0x51: {  	_ =	swait.ge [sflag:s21], $0x2000  }
0x52: {  	s31 =	rddreg [dreg:$0x9];
	[sflag:s21] =	ssyncset.done $0x0  }
0x53: {  	[sflag:s21] =	ssyncadd.s32 $0xFFFFE000;
	s21 =	sadd.s32 $0x0, s31  }
0x54: {  	[hbm4b:s21+s3] =	stream.linear.scatter [tilespmem:s25], [sflag:$0xF], $0x2000, $0x38;
	[tilespmem:$0x15C00] =	vst v63  }
0x55: {  	s21 =	simm.s32 $0x6  }
0x56: {  	_ =	swait.ge [sflag:s21], $0x2000  }
0x57: {  	s31 =	rddreg [dreg:$0x8];
	[sflag:s21] =	ssyncset.done $0x0  }
0x58: {  	[sflag:s21] =	ssyncadd.s32 $0xFFFFE000;
	s21 =	sadd.s32 $0x0, s31  }
0x59: {  	[hbm4b:s21+s3] =	stream.linear.scatter [tilespmem:s26], [sflag:$0x10], $0x2000, $0x38;
	[tilespmem:$0x15C00] =	vst v63  }
0x5a: {  	_ =	swait.ge [sflag:s5], $0x2000  }
0x5b: {  	s31 =	rddreg [dreg:$0x7];
	[sflag:s5] =	ssyncset.done $0x0  }
0x5c: {  	[sflag:s5] =	ssyncadd.s32 $0xFFFFE000;
	s21 =	sadd.s32 $0x0, s31  }
0x5d: {  	[hbm4b:s21+s3] =	stream.linear.scatter [tilespmem:s28], [sflag:$0x11], $0x2000, $0x38;
	[tilespmem:$0x15C00] =	vst v63  }
0x5e: {  	_ =	swait.ge [sflag:s6], $0x2000  }
0x5f: {  	s0 =	rddreg [dreg:$0x6];
	[sflag:s6] =	ssyncset.done $0x0  }
0x60: {  	[sflag:s6] =	ssyncadd.s32 $0xFFFFE000;
	s21 =	sadd.s32 $0x0, s0  }
0x61: {  	[hbm4b:s21+s3] =	stream.linear.scatter [tilespmem:s29], [sflag:$0x12], $0x2000, $0x38;
	[tilespmem:$0x15C00] =	vst v63  }
0x62: {  	_ =	swait.ge [sflag:s7], $0x2000  }
0x63: {  	s31 =	rddreg [dreg:$0x5];
	[sflag:s7] =	ssyncset.done $0x0  }
0x64: {  	[sflag:s7] =	ssyncadd.s32 $0xFFFFE000;
	s21 =	sadd.s32 $0x0, s31  }
0x65: {  	[hbm4b:s21+s3] =	stream.linear.scatter [tilespmem:s30], [sflag:$0x13], $0x2000, $0x38;
	[tilespmem:$0x15C00] =	vst v63  }
0x66: {  	_ =	swait.ge [sflag:s8], $0x2000  }
0x67: {  	s0 =	rddreg [dreg:$0x4];
	[sflag:s8] =	ssyncset.done $0x0  }
0x68: {  	[sflag:s8] =	ssyncadd.s32 $0xFFFFE000;
	s21 =	sadd.s32 $0x0, s0  }
0x69: {  	[hbm4b:s21+s3] =	stream.linear.scatter [tilespmem:s4], [sflag:$0x14], $0x2000, $0x38;
	[tilespmem:$0x15C00] =	vst v63  }
0x6a: {  	_ =	swait.ge [sflag:s9], $0x2000  }
0x6b: {  	[sflag:s9] =	ssyncset.done $0x0  }
0x6c: {  	s31 =	simm.s32 $0x280;
	[sflag:s9] =	ssyncadd.s32 $0xFFFFE000  }
0x6d: {  	[tilespmem:s23], [sflag:$0x1] =	stream.indirect.gather [hbm4b:s2+s17], $0x80, s31, s17, $0xb8;
	[tilespmem:$0x15C00] =	vst v63  }
0x6e: {  	_ =	swait.ge [sflag:s10], $0x2000  }
0x6f: {  	[sflag:s10] =	ssyncset.done $0x0  }
0x70: {  	s0 =	simm.s32 $0x2C0;
	[sflag:s10] =	ssyncadd.s32 $0xFFFFE000  }
0x71: {  	[tilespmem:s1], [sflag:$0x2] =	stream.indirect.gather [hbm4b:s2+s17], $0x80, s0, s17, $0xb8;
	[tilespmem:$0x15C00] =	vst v63  }
0x72: {  	_ =	swait.ge [sflag:s11], $0x2000  }
0x73: {  	[sflag:s11] =	ssyncset.done $0x0  }
0x74: {  	s4 =	simm.s32 $0x300;
	[sflag:s11] =	ssyncadd.s32 $0xFFFFE000  }
0x75: {  	[tilespmem:s20], [sflag:$0x3] =	stream.indirect.gather [hbm4b:s2+s17], $0x80, s4, s17, $0xb8;
	[tilespmem:$0x15C00] =	vst v63  }
0x76: {  	_ =	swait.ge [sflag:s12], $0x2000  }
0x77: {  	[sflag:s12] =	ssyncset.done $0x0  }
0x78: {  	s23 =	simm.s32 $0x340;
	[sflag:s12] =	ssyncadd.s32 $0xFFFFE000  }
0x79: {  	[tilespmem:s24], [sflag:$0x4] =	stream.indirect.gather [hbm4b:s2+s17], $0x80, s23, s17, $0xb8;
	[tilespmem:$0x15C00] =	vst v63  }
0x7a: {  	_ =	swait.ge [sflag:s13], $0x2000  }
0x7b: {  	[sflag:s13] =	ssyncset.done $0x0  }
0x7c: {  	s24 =	simm.s32 $0x380;
	[sflag:s13] =	ssyncadd.s32 $0xFFFFE000  }
0x7d: {  	[tilespmem:s25], [sflag:$0x5] =	stream.indirect.gather [hbm4b:s2+s17], $0x80, s24, s17, $0xb8;
	[tilespmem:$0x15C00] =	vst v63  }
0x7e: {  	_ =	swait.ge [sflag:s14], $0x2000  }
0x7f: {  	[sflag:s14] =	ssyncset.done $0x0  }
0x80: {  	s25 =	simm.s32 $0x3C0;
	[sflag:s14] =	ssyncadd.s32 $0xFFFFE000  }
0x81: {  	[tilespmem:s26], [sflag:$0x6] =	stream.indirect.gather [hbm4b:s2+s17], $0x80, s25, s17, $0xb8;
	[tilespmem:$0x15C00] =	vst v63  }
0x82: {  	_ =	swait.ge [sflag:s15], $0x2000  }
0x83: {  	[sflag:s15] =	ssyncset.done $0x0  }
0x84: {  	s26 =	simm.s32 $0x400;
	[sflag:s15] =	ssyncadd.s32 $0xFFFFE000  }
0x85: {  	[tilespmem:s28], [sflag:$0x7] =	stream.indirect.gather [hbm4b:s2+s17], $0x80, s26, s17, $0xb8;
	[tilespmem:$0x15C00] =	vst v63  }
0x86: {  	_ =	swait.ge [sflag:s16], $0x2000  }
0x87: {  	[sflag:s16] =	ssyncset.done $0x0  }
0x88: {  	s28 =	simm.s32 $0x440;
	[sflag:s16] =	ssyncadd.s32 $0xFFFFE000  }
0x89: {  	[tilespmem:s29], [sflag:$0x8] =	stream.indirect.gather [hbm4b:s2+s17], $0x80, s28, s17, $0xb8;
	[tilespmem:$0x15C00] =	vst v63  }
0x8a: {  	_ =	swait.ge [sflag:s18], $0x2000  }
0x8b: {  	[sflag:s18] =	ssyncset.done $0x0  }
0x8c: {  	s31 =	simm.s32 $0x480;
	[sflag:s18] =	ssyncadd.s32 $0xFFFFE000  }
0x8d: {  	[tilespmem:s30], [sflag:$0x9] =	stream.indirect.gather [hbm4b:s2+s17], $0x80, s31, s17, $0xb8;
	[tilespmem:$0x15C00] =	vst v63  }
0x8e: {  	_ =	swait.ge [sflag:s19], $0x2000  }
0x8f: {  	s21 =	simm.s32 $0x50000;
	[sflag:s19] =	ssyncset.done $0x0  }
0x90: {  	s23 =	simm.s32 $0x500;
	s25 =	simm.s32 $0x4C0;
	[sflag:s19] =	ssyncadd.s32 $0xFFFFE000  }
.LBB2_2:
0x91: {  	s4 =	simm.s32 $0x13C00;
	s0 =	simm.s32 $0x1  }
0x92: {  	[tilespmem:s4], [sflag:$0xA] =	stream.indirect.gather [hbm4b:s2+s17], $0x80, s25, s17, $0xb8;
	[tilespmem:$0x15C00] =	vst v63  }
0x93: {  	s30 =	simm.s32 $0x1C00;
	_ =	swait.ge [sflag:s0], $0x2000  }
0x94: {  	s25 =	smov.u32 s21;
	s28 =	rddreg [dreg:$0xd];
	[sflag:s0] =	ssyncset.done $0x0  }
0x95: {  	s1 =	simm.s32 $0x2;
	[sflag:s0] =	ssyncadd.s32 $0xFFFFE000;
	s28 =	sadd.s32 s25, s28  }
0x96: {  	[hbm4b:s28+s3] =	stream.linear.scatter [tilespmem:s30], [sflag:$0xB], $0x2000, $0x38;
	[tilespmem:$0x15C00] =	vst v63  }
0x97: {  	_ =	swait.ge [sflag:s1], $0x2000  }
0x98: {  	s20 =	simm.s32 $0x3;
	s28 =	rddreg [dreg:$0xc];
	[sflag:s1] =	ssyncset.done $0x0  }
0x99: {  	[sflag:s1] =	ssyncadd.s32 $0xFFFFE000;
	s28 =	sadd.s32 s25, s28;
	s1 =	simm.s32 $0x3C00  }
0x9a: {  	[hbm4b:s28+s3] =	stream.linear.scatter [tilespmem:s1], [sflag:$0xC], $0x2000, $0x38;
	[tilespmem:$0x15C00] =	vst v63  }
0x9b: {  	_ =	swait.ge [sflag:s20], $0x2000  }
0x9c: {  	s24 =	simm.s32 $0x4;
	s28 =	rddreg [dreg:$0xb];
	[sflag:s20] =	ssyncset.done $0x0  }
0x9d: {  	[sflag:s20] =	ssyncadd.s32 $0xFFFFE000;
	s28 =	sadd.s32 s25, s28;
	s20 =	simm.s32 $0x5C00  }
0x9e: {  	[hbm4b:s28+s3] =	stream.linear.scatter [tilespmem:s20], [sflag:$0xD], $0x2000, $0x38;
	[tilespmem:$0x15C00] =	vst v63  }
0x9f: {  	_ =	swait.ge [sflag:s24], $0x2000  }
0xa0: {  	s26 =	simm.s32 $0x5;
	s28 =	rddreg [dreg:$0xa];
	[sflag:s24] =	ssyncset.done $0x0  }
0xa1: {  	[sflag:s24] =	ssyncadd.s32 $0xFFFFE000;
	s28 =	sadd.s32 s25, s28;
	s24 =	simm.s32 $0x7C00  }
0xa2: {  	[hbm4b:s28+s3] =	stream.linear.scatter [tilespmem:s24], [sflag:$0xE], $0x2000, $0x38;
	[tilespmem:$0x15C00] =	vst v63  }
0xa3: {  	_ =	swait.ge [sflag:s26], $0x2000  }
0xa4: {  	s0 =	simm.s32 $0x6;
	s28 =	rddreg [dreg:$0x9];
	[sflag:s26] =	ssyncset.done $0x0  }
0xa5: {  	[sflag:s26] =	ssyncadd.s32 $0xFFFFE000;
	s28 =	sadd.s32 s25, s28;
	s26 =	simm.s32 $0x9C00  }
0xa6: {  	[hbm4b:s28+s3] =	stream.linear.scatter [tilespmem:s26], [sflag:$0xF], $0x2000, $0x38;
	[tilespmem:$0x15C00] =	vst v63  }
0xa7: {  	_ =	swait.ge [sflag:s0], $0x2000  }
0xa8: {  	s28 =	rddreg [dreg:$0x8];
	[sflag:s0] =	ssyncset.done $0x0  }
0xa9: {  	s29 =	simm.s32 $0xBC00;
	[sflag:s0] =	ssyncadd.s32 $0xFFFFE000;
	s28 =	sadd.s32 s25, s28  }
0xaa: {  	[hbm4b:s28+s3] =	stream.linear.scatter [tilespmem:s29], [sflag:$0x10], $0x2000, $0x38;
	[tilespmem:$0x15C00] =	vst v63  }
0xab: {  	_ =	swait.ge [sflag:s5], $0x2000  }
0xac: {  	s28 =	rddreg [dreg:$0x7];
	[sflag:s5] =	ssyncset.done $0x0  }
0xad: {  	s31 =	simm.s32 $0xDC00;
	[sflag:s5] =	ssyncadd.s32 $0xFFFFE000;
	s28 =	sadd.s32 s25, s28  }
0xae: {  	[hbm4b:s28+s3] =	stream.linear.scatter [tilespmem:s31], [sflag:$0x11], $0x2000, $0x38;
	[tilespmem:$0x15C00] =	vst v63  }
0xaf: {  	_ =	swait.ge [sflag:s6], $0x2000  }
0xb0: {  	s28 =	rddreg [dreg:$0x6];
	[sflag:s6] =	ssyncset.done $0x0  }
0xb1: {  	s0 =	simm.s32 $0xFC00;
	[sflag:s6] =	ssyncadd.s32 $0xFFFFE000;
	s28 =	sadd.s32 s25, s28  }
0xb2: {  	[hbm4b:s28+s3] =	stream.linear.scatter [tilespmem:s0], [sflag:$0x12], $0x2000, $0x38;
	[tilespmem:$0x15C00] =	vst v63  }
0xb3: {  	_ =	swait.ge [sflag:s7], $0x2000  }
0xb4: {  	s28 =	rddreg [dreg:$0x5];
	[sflag:s7] =	ssyncset.done $0x0  }
0xb5: {  	[sflag:s7] =	ssyncadd.s32 $0xFFFFE000;
	s28 =	sadd.s32 s25, s28  }
0xb6: {  	[hbm4b:s28+s3] =	stream.linear.scatter [tilespmem:s22], [sflag:$0x13], $0x2000, $0x38;
	[tilespmem:$0x15C00] =	vst v63  }
0xb7: {  	_ =	swait.ge [sflag:s8], $0x2000  }
0xb8: {  	s28 =	rddreg [dreg:$0x4];
	[sflag:s8] =	ssyncset.done $0x0  }
0xb9: {  	[sflag:s8] =	ssyncadd.s32 $0xFFFFE000;
	s25 =	sadd.s32 s25, s28  }
0xba: {  	[hbm4b:s25+s3] =	stream.linear.scatter [tilespmem:s4], [sflag:$0x14], $0x2000, $0x38;
	[tilespmem:$0x15C00] =	vst v63  }
0xbb: {  	_ =	swait.ge [sflag:s9], $0x2000  }
0xbc: {  	[sflag:s9] =	ssyncset.done $0x0  }
0xbd: {  	[sflag:s9] =	ssyncadd.s32 $0xFFFFE000  }
0xbe: {  	[tilespmem:s30], [sflag:$0x1] =	stream.indirect.gather [hbm4b:s2+s17], $0x80, s23, s17, $0xb8;
	[tilespmem:$0x15C00] =	vst v63  }
0xbf: {  	_ =	swait.ge [sflag:s10], $0x2000  }
0xc0: {  	[sflag:s10] =	ssyncset.done $0x0  }
0xc1: {  	s4 =	sadd.s32 $0x40, s23;
	[sflag:s10] =	ssyncadd.s32 $0xFFFFE000  }
0xc2: {  	[tilespmem:s1], [sflag:$0x2] =	stream.indirect.gather [hbm4b:s2+s17], $0x80, s4, s17, $0xb8;
	[tilespmem:$0x15C00] =	vst v63  }
0xc3: {  	_ =	swait.ge [sflag:s11], $0x2000  }
0xc4: {  	[sflag:s11] =	ssyncset.done $0x0  }
0xc5: {  	s4 =	sadd.s32 $0x80, s23;
	[sflag:s11] =	ssyncadd.s32 $0xFFFFE000  }
0xc6: {  	[tilespmem:s20], [sflag:$0x3] =	stream.indirect.gather [hbm4b:s2+s17], $0x80, s4, s17, $0xb8;
	[tilespmem:$0x15C00] =	vst v63  }
0xc7: {  	_ =	swait.ge [sflag:s12], $0x2000  }
0xc8: {  	[sflag:s12] =	ssyncset.done $0x0  }
0xc9: {  	s4 =	sadd.s32 $0xC0, s23;
	[sflag:s12] =	ssyncadd.s32 $0xFFFFE000  }
0xca: {  	[tilespmem:s24], [sflag:$0x4] =	stream.indirect.gather [hbm4b:s2+s17], $0x80, s4, s17, $0xb8;
	[tilespmem:$0x15C00] =	vst v63  }
0xcb: {  	_ =	swait.ge [sflag:s13], $0x2000  }
0xcc: {  	[sflag:s13] =	ssyncset.done $0x0  }
0xcd: {  	s4 =	sadd.s32 $0x100, s23;
	[sflag:s13] =	ssyncadd.s32 $0xFFFFE000  }
0xce: {  	[tilespmem:s26], [sflag:$0x5] =	stream.indirect.gather [hbm4b:s2+s17], $0x80, s4, s17, $0xb8;
	[tilespmem:$0x15C00] =	vst v63  }
0xcf: {  	_ =	swait.ge [sflag:s14], $0x2000  }
0xd0: {  	[sflag:s14] =	ssyncset.done $0x0  }
0xd1: {  	s4 =	sadd.s32 $0x140, s23;
	[sflag:s14] =	ssyncadd.s32 $0xFFFFE000  }
0xd2: {  	[tilespmem:s29], [sflag:$0x6] =	stream.indirect.gather [hbm4b:s2+s17], $0x80, s4, s17, $0xb8;
	[tilespmem:$0x15C00] =	vst v63  }
0xd3: {  	_ =	swait.ge [sflag:s15], $0x2000  }
0xd4: {  	[sflag:s15] =	ssyncset.done $0x0  }
0xd5: {  	s4 =	sadd.s32 $0x180, s23;
	[sflag:s15] =	ssyncadd.s32 $0xFFFFE000  }
0xd6: {  	[tilespmem:s31], [sflag:$0x7] =	stream.indirect.gather [hbm4b:s2+s17], $0x80, s4, s17, $0xb8;
	[tilespmem:$0x15C00] =	vst v63  }
0xd7: {  	_ =	swait.ge [sflag:s16], $0x2000  }
0xd8: {  	p0 =	sne.s32 s21, $0x280000;
	s21 =	sadd.s32 $0x50000, s21;
	[sflag:s16] =	ssyncset.done $0x0  }
0xd9: {  	s28 =	simm.s32 $0x1C00;
	s4 =	sadd.s32 $0x1C0, s23;
	[sflag:s16] =	ssyncadd.s32 $0xFFFFE000  }
0xda: {  	[tilespmem:s0], [sflag:$0x8] =	stream.indirect.gather [hbm4b:s2+s17], $0x80, s4, s17, $0xb8;
	[tilespmem:$0x15C00] =	vst v63  }
0xdb: {  	s25 =	sadd.s32 $0x240, s23;
	s30 =	simm.s32 $0x3C00;
	_ =	swait.ge [sflag:s18], $0x2000  }
0xdc: {  	s1 =	simm.s32 $0x5C00;
	s20 =	simm.s32 $0x7C00;
	[sflag:s18] =	ssyncset.done $0x0  }
.Ltmp0:
0xdd: {  	s4 =	sadd.s32 $0x200, s23;
	[sflag:s18] =	ssyncadd.s32 $0xFFFFE000;
	(pc) =	sbr.rel @p0 .LBB2_2-.Ltmp0, $4  }
0xde: {  	[tilespmem:s22], [sflag:$0x9] =	stream.indirect.gather [hbm4b:s2+s17], $0x80, s4, s17, $0xb8;
	[tilespmem:$0x15C00] =	vst v63  }
0xdf: {  	s24 =	simm.s32 $0x9C00;
	s26 =	simm.s32 $0xBC00;
	_ =	swait.ge [sflag:s19], $0x2000  }
0xe0: {  	s29 =	simm.s32 $0xDC00;
	s31 =	simm.s32 $0xFC00;
	[sflag:s19] =	ssyncset.done $0x0  }
0xe1: {  	s0 =	simm.s32 $0x11C00;
	s23 =	sadd.s32 $0x280, s23;
	[sflag:s19] =	ssyncadd.s32 $0xFFFFE000  }
0xe2: {  	s4 =	simm.s32 $0x13C00;
	s21 =	simm.s32 $0x1  }
0xe3: {  	[tilespmem:s4], [sflag:$0xA] =	stream.indirect.gather [hbm4b:s2+s17], $0x80, s25, s17, $0xb8;
	[tilespmem:$0x15C00] =	vst v63  }
0xe4: {  	_ =	swait.ge [sflag:s21], $0x2000  }
0xe5: {  	[sflag:s21] =	ssyncset.done $0x0  }
0xe6: {  	s25 =	simm.s32 $0x2;
	s23 =	rddreg [dreg:$0x10];
	[sflag:s21] =	ssyncadd.s32 $0xFFFFE000  }
0xe7: {  	[hbm4b:s23+s3] =	stream.linear.scatter [tilespmem:s28], [sflag:$0xB], $0x2000, $0x38;
	[tilespmem:$0x15C00] =	vst v63  }
0xe8: {  	_ =	swait.ge [sflag:s25], $0x2000  }
0xe9: {  	[sflag:s25] =	ssyncset.done $0x0  }
0xea: {  	s28 =	rddreg [dreg:$0xf];
	[sflag:s25] =	ssyncadd.s32 $0xFFFFE000  }
0xeb: {  	[hbm4b:s28+s3] =	stream.linear.scatter [tilespmem:s30], [sflag:$0xC], $0x2000, $0x38;
	[tilespmem:$0x15C00] =	vst v63  }
0xec: {  	s30 =	simm.s32 $0x3  }
0xed: {  	_ =	swait.ge [sflag:s30], $0x2000  }
0xee: {  	[sflag:s30] =	ssyncset.done $0x0  }
0xef: {  	s25 =	simm.s32 $0x4;
	s23 =	rddreg [dreg:$0x11];
	[sflag:s30] =	ssyncadd.s32 $0xFFFFE000  }
0xf0: {  	[hbm4b:s23+s3] =	stream.linear.scatter [tilespmem:s1], [sflag:$0xD], $0x2000, $0x38;
	[tilespmem:$0x15C00] =	vst v63  }
0xf1: {  	_ =	swait.ge [sflag:s25], $0x2000  }
0xf2: {  	[sflag:s25] =	ssyncset.done $0x0  }
0xf3: {  	s30 =	simm.s32 $0x5;
	s28 =	rddreg [dreg:$0x12];
	[sflag:s25] =	ssyncadd.s32 $0xFFFFE000  }
0xf4: {  	[hbm4b:s28+s3] =	stream.linear.scatter [tilespmem:s20], [sflag:$0xE], $0x2000, $0x38;
	[tilespmem:$0x15C00] =	vst v63  }
0xf5: {  	_ =	swait.ge [sflag:s30], $0x2000  }
0xf6: {  	[sflag:s30] =	ssyncset.done $0x0  }
0xf7: {  	s23 =	simm.s32 $0x6;
	s20 =	rddreg [dreg:$0x13];
	[sflag:s30] =	ssyncadd.s32 $0xFFFFE000  }
0xf8: {  	[hbm4b:s20+s3] =	stream.linear.scatter [tilespmem:s24], [sflag:$0xF], $0x2000, $0x38;
	[tilespmem:$0x15C00] =	vst v63  }
0xf9: {  	_ =	swait.ge [sflag:s23], $0x2000  }
0xfa: {  	[sflag:s23] =	ssyncset.done $0x0  }
0xfb: {  	s24 =	rddreg [dreg:$0x14];
	[sflag:s23] =	ssyncadd.s32 $0xFFFFE000  }
0xfc: {  	[hbm4b:s24+s3] =	stream.linear.scatter [tilespmem:s26], [sflag:$0x10], $0x2000, $0x38;
	[tilespmem:$0x15C00] =	vst v63  }
0xfd: {  	_ =	swait.ge [sflag:s5], $0x2000  }
0xfe: {  	[sflag:s5] =	ssyncset.done $0x0  }
0xff: {  	s25 =	rddreg [dreg:$0x15];
	[sflag:s5] =	ssyncadd.s32 $0xFFFFE000  }
0x100: {  	[hbm4b:s25+s3] =	stream.linear.scatter [tilespmem:s29], [sflag:$0x11], $0x2000, $0x38;
	[tilespmem:$0x15C00] =	vst v63  }
0x101: {  	_ =	swait.ge [sflag:s6], $0x2000  }
0x102: {  	[sflag:s6] =	ssyncset.done $0x0  }
0x103: {  	s26 =	rddreg [dreg:$0x16];
	[sflag:s6] =	ssyncadd.s32 $0xFFFFE000  }
0x104: {  	[hbm4b:s26+s3] =	stream.linear.scatter [tilespmem:s31], [sflag:$0x12], $0x2000, $0x38;
	[tilespmem:$0x15C00] =	vst v63  }
0x105: {  	_ =	swait.ge [sflag:s7], $0x2000  }
0x106: {  	[sflag:s7] =	ssyncset.done $0x0  }
0x107: {  	s28 =	rddreg [dreg:$0x17];
	[sflag:s7] =	ssyncadd.s32 $0xFFFFE000  }
0x108: {  	[hbm4b:s28+s3] =	stream.linear.scatter [tilespmem:s0], [sflag:$0x13], $0x2000, $0x38;
	[tilespmem:$0x15C00] =	vst v63  }
0x109: {  	_ =	swait.ge [sflag:s8], $0x2000  }
0x10a: {  	[sflag:s8] =	ssyncset.done $0x0  }
0x10b: {  	s29 =	rddreg [dreg:$0x18];
	[sflag:s8] =	ssyncadd.s32 $0xFFFFE000  }
0x10c: {  	[hbm4b:s29+s3] =	stream.linear.scatter [tilespmem:s4], [sflag:$0x14], $0x2000, $0x38;
	[tilespmem:$0x15C00] =	vst v63  }
0x10d: {  	_ =	swait.ge [sflag:s9], $0x2000  }
0x10e: {  	[sflag:s9] =	ssyncset.done $0x0  }
0x10f: {  	[sflag:s9] =	ssyncadd.s32 $0xFFFFE000  }
0x110: {  	_ =	swait.ge [sflag:s10], $0x2000  }
0x111: {  	[sflag:s10] =	ssyncset.done $0x0  }
0x112: {  	[sflag:s10] =	ssyncadd.s32 $0xFFFFE000  }
0x113: {  	_ =	swait.ge [sflag:s11], $0x2000  }
0x114: {  	[sflag:s11] =	ssyncset.done $0x0  }
0x115: {  	[sflag:s11] =	ssyncadd.s32 $0xFFFFE000  }
0x116: {  	_ =	swait.ge [sflag:s12], $0x2000  }
0x117: {  	[sflag:s12] =	ssyncset.done $0x0  }
0x118: {  	[sflag:s12] =	ssyncadd.s32 $0xFFFFE000  }
0x119: {  	_ =	swait.ge [sflag:s13], $0x2000  }
0x11a: {  	[sflag:s13] =	ssyncset.done $0x0  }
0x11b: {  	[sflag:s13] =	ssyncadd.s32 $0xFFFFE000  }
0x11c: {  	_ =	swait.ge [sflag:s14], $0x2000  }
0x11d: {  	[sflag:s14] =	ssyncset.done $0x0  }
0x11e: {  	[sflag:s14] =	ssyncadd.s32 $0xFFFFE000  }
0x11f: {  	_ =	swait.ge [sflag:s15], $0x2000  }
0x120: {  	[sflag:s15] =	ssyncset.done $0x0  }
0x121: {  	[sflag:s15] =	ssyncadd.s32 $0xFFFFE000  }
0x122: {  	_ =	swait.ge [sflag:s16], $0x2000  }
0x123: {  	[sflag:s16] =	ssyncset.done $0x0  }
0x124: {  	[sflag:s16] =	ssyncadd.s32 $0xFFFFE000  }
0x125: {  	_ =	swait.ge [sflag:s18], $0x2000  }
0x126: {  	[sflag:s18] =	ssyncset.done $0x0  }
0x127: {  	[sflag:s18] =	ssyncadd.s32 $0xFFFFE000  }
0x128: {  	_ =	swait.ge [sflag:s19], $0x2000  }
0x129: {  	s30 =	rddreg [dreg:$0x1a]  }
0x12a: {  	s31 =	rddreg [dreg:$0x19];
	s0 =	sadd.s32 $0x1, s30  }
0x12b: {  	p0 =	sne.s32 s0, s31  }
.Ltmp1:
0x12c: {  	_ = 	snop;
	(pc) =	sbr.rel @p0 .LBB2_1-.Ltmp1, $3  }
0x12d: {  	_ =	sdelay $0x1  }
0x12e: {  	[sflag:s19] =	ssyncset.done $0x0  }
0x12f: {  	[sflag:s19] =	ssyncadd.s32 $0xFFFFE000  }
0x130: {  	_ =	sfence.sel $0x180000  }
0x131: {  	[bflag:$0x0] =	sbarrier.arrive $0xFFFF  }
0x132: {  	_ =	strace $0x90000047  }
0x133: {  	s0 =	stileid.u32;
	[bflag:$0x2] =	sbarrier.arrive $0xFFFF  }
0x134: {  	p0 =	sne.s32 s0, $0x0;
	s0 =	rddreg [dreg:$0x3]  }
0x135: {  	s0 =	sadd.s32 @!p0 $0x100000, s0  }
0x136: {  	[sflag:s0] =	ssyncadd.tile.s32 @!p0 $0x1;
	_ =	shalt  }
.Lfunc_end2:
_tile_overlayer_lowered:
.L_overlay_start_2:
0x137: {  	(tag) =	ssettag $0x2  }
0x138: {  	s0 =	rddreg [dreg:$0x0];
	s2 =	stileid.u32  }
0x139: {  	s1 =	rddreg [dreg:$0x1];
	p0 =	sne.s32 s2, $0x0  }
0x13a: {  	s3 =	rddreg [dreg:$0x2];
	[bflag:$0x3] =	sbarrier.arrive $0xFFFF;
	s2 =	simm.s32 @!p0 $0x1C15  }
0x13b: {  	[timem:s3], [sflag:s2] =	dma.local @!p0 [hbm:s0], s1  }
0x13c: {  	s0 =	simm.s32 @!p0 $0x15  }
0x13d: {  	_ =	swait.ge @!p0 [sflag:s0], s1  }
0x13e: {  	s1 =	ssub.s32 @!p0 $0x0, s1;
	[sflag:s0] =	ssyncset.done @!p0 $0x0  }
0x13f: {  	[sflag:s0] =	ssyncadd.s32 @!p0 s1  }
0x140: {  	[bflag:$0x3] =	sbarrier.arrive $0xFFFF  }
0x141: {  	_ =	shalt  }

</sc_bundles>
